<compile_context>
chip_gen: v7x
topology: tpu7x:2x2x1
jax: 0.10.2.dev20260603
libtpu: 0.0.44.dev20260713+nightly
codegen_flags: <defaults>
</compile_context>

<pallas_src>
import functools

import jax
import jax.numpy as jnp
from jax import lax
from jax.experimental import pallas as pl
from jax.experimental.pallas import tpu as pltpu
from jax.experimental.pallas import tpu_sc as plsc

F32 = jnp.float32
NSUB = 16
NCORE = 2
BATCH = 128


def _sc_degree(dstp, zdeg, nacc, eps):
  nb = eps // BATCH
  nw = NCORE * NSUB
  mesh = plsc.VectorSubcoreMesh(core_axis_name="c", subcore_axis_name="s")

  @functools.partial(
      pl.kernel,
      out_type=jax.ShapeDtypeStruct((nw, nacc), F32),
      mesh=mesh,
      scratch_types=[
          pltpu.VMEM((BATCH,), jnp.int32),
          pltpu.VMEM((BATCH,), jnp.int32),
          pltpu.VMEM((nacc,), F32),
          pltpu.SemaphoreType.DMA,
          pltpu.SemaphoreType.DMA,
      ],
      compiler_params=pltpu.CompilerParams(needs_layout_passes=False),
  )
  def deg_kernel(dst_hbm, z_hbm, out_hbm, idxb0, idxb1, hist, sem0, sem1):
    idxb = (idxb0, idxb1)
    sem = (sem0, sem1)
    c = lax.axis_index("c")
    s = lax.axis_index("s")
    w = c * NSUB + s
    pltpu.sync_copy(z_hbm, hist)
    base0 = w * eps

    def start_load(i, q):
      pltpu.async_copy(dst_hbm.at[pl.ds(base0 + i * BATCH, BATCH)],
                       idxb[q], sem[q])

    def histo(q):
      for j in range(BATCH // 16):
        d16 = idxb[q][pl.ds(j * 16, 16)]
        cnt, last = plsc.scan_count(d16)
        old = plsc.load_gather(hist, [d16], mask=last)
        plsc.store_scatter(hist, [d16], old + cnt.astype(F32), mask=last)

    start_load(0, 0)
    start_load(1, 1)

    @pl.loop(0, nb // 2)
    def _(k):
      i = 2 * k
      for q in range(2):
        pltpu.make_async_copy(
            dst_hbm.at[pl.ds(base0 + (i + q) * BATCH, BATCH)],
            idxb[q], sem[q]).wait()
        histo(q)

        @pl.when(i + 2 + q < nb)
        def _():
          start_load(i + 2 + q, q)

    pltpu.sync_copy(hist, out_hbm.at[w])

  return deg_kernel(dstp, zdeg)


def _sc_prop(y, sd, zhbm, nacc, eps, d):
  nb = eps // BATCH
  rows_sub = nacc // NSUB
  mesh = plsc.VectorSubcoreMesh(core_axis_name="c", subcore_axis_name="s")

  @functools.partial(
      pl.kernel,
      out_type=jax.ShapeDtypeStruct((NCORE, nacc, d), F32),
      mesh=mesh,
      scratch_types=(
          [pltpu.VMEM((2, BATCH), jnp.int32)] * 4
          + [pltpu.VMEM((BATCH, d), F32)] * 2
          + [pltpu.VMEM_SHARED((nacc, d), F32)]
          + [pltpu.SemaphoreType.DMA] * 6
      ),
  )
  def prop_kernel(y_hbm, sd_hbm, z_hbm, out_hbm, *scratch):
    idx = scratch[0:4]
    rows = scratch[4:6]
    acc = scratch[6]
    semg = scratch[7:9]
    semi = scratch[9:13]
    c = lax.axis_index("c")
    s = lax.axis_index("s")
    w = c * NSUB + s
    pltpu.sync_copy(z_hbm.at[pl.ds(s * rows_sub, rows_sub)],
                    acc.at[pl.ds(s * rows_sub, rows_sub)])
    plsc.subcore_barrier()
    bbase = w * nb

    def start_idx(i, r):
      pltpu.async_copy(sd_hbm.at[bbase + i], idx[r], semi[r])

    def wait_idx(i, r):
      pltpu.make_async_copy(sd_hbm.at[bbase + i], idx[r], semi[r]).wait()

    def start_gather(i, r, q):
      wait_idx(i, r)
      pltpu.async_copy(y_hbm.at[idx[r].at[0]], rows[q], semg[q])

    def wait_gather(r, q):
      pltpu.make_async_copy(y_hbm.at[idx[r].at[0]], rows[q], semg[q]).wait()

    for r in range(4):
      start_idx(r, r)
    start_gather(0, 0, 0)
    start_gather(1, 1, 1)

    @pl.loop(0, nb // 4)
    def _(k):
      for j in range(4):
        i = 4 * k + j
        r = j
        q = j % 2
        wait_gather(r, q)
        pltpu.sync_copy(rows[q], acc.at[idx[r].at[1]], add=True)

        @pl.when(i + 4 < nb)
        def _():
          start_idx(i + 4, r)

        @pl.when(i + 2 < nb)
        def _():
          start_gather(i + 2, (j + 2) % 4, q)

    plsc.subcore_barrier()
    pltpu.sync_copy(acc.at[pl.ds(s * rows_sub, rows_sub)],
                    out_hbm.at[c, pl.ds(s * rows_sub, rows_sub)])

  return prop_kernel(y, sd, zhbm)


def _tc_layer1(x, w1, degp, n, nfeat, nhid, rb):
  grid = n // rb
  nw = degp.shape[1]

  def body(x_ref, w_ref, dp_ref, y_ref, dinv_ref):
    ones = jnp.ones((nw, 1), F32)
    deg = jnp.dot(dp_ref[...], ones, preferred_element_type=F32) + 1.0
    dinv = lax.rsqrt(jnp.maximum(deg, 1.0))
    h = jnp.dot(x_ref[...], w_ref[...], preferred_element_type=F32)
    y_ref[...] = dinv * h
    dinv_ref[...] = dinv

  return pl.pallas_call(
      body,
      grid=(grid,),
      in_specs=[
          pl.BlockSpec((rb, nfeat), lambda i: (i, 0)),
          pl.BlockSpec((nfeat, nhid), lambda i: (0, 0)),
          pl.BlockSpec((rb, nw), lambda i: (i, 0)),
      ],
      out_specs=[
          pl.BlockSpec((rb, nhid), lambda i: (i, 0)),
          pl.BlockSpec((rb, 1), lambda i: (i, 0)),
      ],
      out_shape=[
          jax.ShapeDtypeStruct((n, nhid), F32),
          jax.ShapeDtypeStruct((n, 1), F32),
      ],
  )(x, w1, degp)


def _tc_layer2(p0, p1, y1, dinv, b1r, w2p, n, nhid, ncp, rb):
  grid = n // rb

  def body(p0_ref, p1_ref, y1_ref, dinv_ref, b1_ref, w_ref, y2_ref):
    a = p0_ref[...] + p1_ref[...] + y1_ref[...]
    t = jnp.maximum(dinv_ref[...] * a + b1_ref[...], 0.0)
    h2 = jnp.dot(t, w_ref[...], preferred_element_type=F32)
    y2_ref[...] = dinv_ref[...] * h2

  return pl.pallas_call(
      body,
      grid=(grid,),
      in_specs=[
          pl.BlockSpec((rb, nhid), lambda i: (i, 0)),
          pl.BlockSpec((rb, nhid), lambda i: (i, 0)),
          pl.BlockSpec((rb, nhid), lambda i: (i, 0)),
          pl.BlockSpec((rb, 1), lambda i: (i, 0)),
          pl.BlockSpec((1, nhid), lambda i: (0, 0)),
          pl.BlockSpec((nhid, ncp), lambda i: (0, 0)),
      ],
      out_specs=pl.BlockSpec((rb, ncp), lambda i: (i, 0)),
      out_shape=jax.ShapeDtypeStruct((n, ncp), F32),
  )(p0, p1, y1, dinv, b1r, w2p)


def _tc_out(p0, p1, y2, dinv, b2r, n, ncp, ncls, rb):
  grid = n // rb

  def body(p0_ref, p1_ref, y2_ref, dinv_ref, b2_ref, out_ref):
    v = dinv_ref[...] * (p0_ref[...] + p1_ref[...] + y2_ref[...]) + b2_ref[...]
    out_ref[...] = v[:, :ncls]

  return pl.pallas_call(
      body,
      grid=(grid,),
      in_specs=[
          pl.BlockSpec((rb, ncp), lambda i: (i, 0)),
          pl.BlockSpec((rb, ncp), lambda i: (i, 0)),
          pl.BlockSpec((rb, ncp), lambda i: (i, 0)),
          pl.BlockSpec((rb, 1), lambda i: (i, 0)),
          pl.BlockSpec((1, ncp), lambda i: (0, 0)),
      ],
      out_specs=pl.BlockSpec((rb, ncls), lambda i: (i, 0)),
      out_shape=jax.ShapeDtypeStruct((n, ncls), F32),
  )(p0, p1, y2, dinv, b2r)


def kernel(x, edge_index, W1, b1, W2, b2):
  n, nfeat = x.shape
  nhid = W1.shape[1]
  ncls = W2.shape[1]
  e = edge_index.shape[1]
  nw = NCORE * NSUB

  eps = -(-e // (nw * 4 * BATCH)) * 4 * BATCH
  etot = eps * nw
  nacc = -(-(n + BATCH) // 128) * 128
  ncp = 128
  rb = 1000

  ei = edge_index.astype(jnp.int32)
  pad = etot - e
  spread = jnp.arange(pad, dtype=jnp.int32) % BATCH
  srcp = jnp.concatenate([ei[0], spread])
  dstp = jnp.concatenate([ei[1], n + spread])
  sd = jnp.stack([srcp.reshape(-1, BATCH), dstp.reshape(-1, BATCH)], axis=1)

  zdeg = jnp.zeros((nacc,), F32)
  z1 = jnp.zeros((nacc, nhid), F32)
  z2 = jnp.zeros((nacc, ncp), F32)
  w2p = jnp.pad(W2, ((0, 0), (0, ncp - ncls)))
  b1r = b1.reshape(1, nhid)
  b2r = jnp.pad(b2, (0, ncp - ncls)).reshape(1, ncp)

  degp = _sc_degree(dstp, zdeg, nacc, eps).T
  y1, dinv = _tc_layer1(x, W1, degp, n, nfeat, nhid, rb)
  p1 = _sc_prop(y1, sd, z1, nacc, eps, nhid)
  y2 = _tc_layer2(p1[0], p1[1], y1, dinv, b1r, w2p, n, nhid, ncp, rb)
  p2 = _sc_prop(y2, sd, z2, nacc, eps, ncp)
  return _tc_out(p2[0], p2[1], y2, dinv, b2r, n, ncp, ncls, rb)

# --- scband reference (transcript-rebuilt; emitter-appended) ---
"""Pipeline reference for scband-gcn-5334349382408 (READ-ONLY COPY).

The authoritative reference and input builder live on the scoring server;
editing this copy changes nothing except your own understanding.
"""

import jax, jax.numpy as jnp
import numpy as np

N = 10000
E = 320000
NFEAT = 128
NHID = 128
NCLASS = 40


def _glorot(key, fan_in, fan_out):
    limit = np.sqrt(6.0 / (fan_in + fan_out))
    return jax.random.uniform(key, (fan_in, fan_out), dtype=jnp.float32, minval=-limit, maxval=limit)


def setup_inputs(seed: int = 0) -> dict:
    key = jax.random.key(seed)
    k_x, k_e, k_w1, k_w2 = jax.random.split(key, 4)
    x = jax.random.normal(k_x, (N, NFEAT), dtype=jnp.float32)
    edge_index = jax.random.randint(k_e, (2, E), 0, N, dtype=jnp.int64)
    W1 = _glorot(k_w1, NFEAT, NHID)
    b1 = jnp.zeros((NHID,), dtype=jnp.float32)
    W2 = _glorot(k_w2, NHID, NCLASS)
    b2 = jnp.zeros((NCLASS,), dtype=jnp.float32)
    return {"x": x, "edge_index": edge_index, "W1": W1, "b1": b1, "W2": W2, "b2": b2}


def _gcn_conv(x, src, dst, W, b):
    # PyG GCNConv: x' = D^{-1/2} (A + I) D^{-1/2} X W + b  (self-loops already appended to src/dst)
    n = x.shape[0]
    h = x @ W
    deg = jax.ops.segment_sum(jnp.ones(src.shape[0], dtype=h.dtype), dst, num_segments=n)
    dinv = jax.lax.rsqrt(jnp.maximum(deg, 1.0))
    norm = dinv[src] * dinv[dst]
    msg = jnp.take(h, src, axis=0) * norm[:, None]
    out = jax.ops.segment_sum(msg, dst, num_segments=n)
    return out + b


def reference(x, edge_index, W1, b1, W2, b2):
    n = x.shape[0]
    loop = jnp.arange(n, dtype=edge_index.dtype)
    src = jnp.concatenate([edge_index[0], loop])
    dst = jnp.concatenate([edge_index[1], loop])
    h = _gcn_conv(x, src, dst, W1, b1)
    h = jax.nn.relu(h)
    # dropout is identity in inference mode
    out = _gcn_conv(h, src, dst, W2, b2)
    return out

if __name__ == "__main__":
    import jax
    _d = setup_inputs()
    print(jax.jit(kernel)(*tuple(_d.values())))

</pallas_src>

<mosaic_0001>
#map = affine_map<(d0, d1) -> (0, 0)>
#map1 = affine_map<(d0, d1) -> (0, 0, 0)>
module attributes {stable_mosaic.version = 14 : i64} {
  func.func @prop_kernel(%arg0: i32, %arg1: i32, %arg2: memref<10000x128xf32, #tpu.memory_space<hbm>>, %arg3: memref<2560x2x128xi32, #tpu.memory_space<hbm>>, %arg4: memref<10240x128xf32, #tpu.memory_space<hbm>>, %arg5: memref<2x10240x128xf32, #tpu.memory_space<hbm>>, %arg6: memref<2x128xi32, #tpu.memory_space<vmem>>, %arg7: memref<2x128xi32, #tpu.memory_space<vmem>>, %arg8: memref<2x128xi32, #tpu.memory_space<vmem>>, %arg9: memref<2x128xi32, #tpu.memory_space<vmem>>, %arg10: memref<128x128xf32, #tpu.memory_space<vmem>>, %arg11: memref<128x128xf32, #tpu.memory_space<vmem>>, %arg12: memref<10240x128xf32, #tpu.memory_space<vmem_shared>>, %arg13: memref<!tpu.dma_semaphore, #tpu.memory_space<semaphore_mem>>, %arg14: memref<!tpu.dma_semaphore, #tpu.memory_space<semaphore_mem>>, %arg15: memref<!tpu.dma_semaphore, #tpu.memory_space<semaphore_mem>>, %arg16: memref<!tpu.dma_semaphore, #tpu.memory_space<semaphore_mem>>, %arg17: memref<!tpu.dma_semaphore, #tpu.memory_space<semaphore_mem>>, %arg18: memref<!tpu.dma_semaphore, #tpu.memory_space<semaphore_mem>>) attributes {dimension_semantics = [#tpu.dimension_semantics<core_parallel>, #tpu.dimension_semantics<subcore_parallel>], iteration_bounds = array<i64: 2, 16>, scalar_prefetch = 0 : i64, scratch_operands = 13 : i64, tpu.core_type = #tpu.core_type<sc_vector_subcore>, window_params = [{transform_indices = #map}, {transform_indices = #map1}, {transform_indices = #map}, {transform_indices = #map1}]} {
    %mul3A = arith.constant 16 : i32
    %mul3A_0 = arith.muli %arg0, %mul3A : i32
    %add3A = arith.addi %mul3A_0, %arg1 : i32
    %mul3A_1 = arith.constant 640 : i32
    %mul3A_2 = arith.muli %arg1, %mul3A_1 : i32
    %mul3A_3 = arith.constant 640 : i32
    %mul3A_4 = arith.muli %arg1, %mul3A_3 : i32
    "tpu.region"() ({
      %run_scoped3A = tpu.sem_alloc : memref<!tpu.dma_semaphore, #tpu.memory_space<semaphore_mem>>
      %dma_start3A_88 = arith.constant 0 : i32
      %dma_start3A_89 = tpu.memref_slice %arg12[%mul3A_4, %dma_start3A_88] : memref<10240x128xf32, #tpu.memory_space<vmem_shared>> -> memref<640x128xf32, #tpu.memory_space<vmem_shared>>
      %dma_start3A_90 = arith.constant 0 : i32
      %dma_start3A_91 = tpu.memref_slice %arg4[%mul3A_2, %dma_start3A_90] : memref<10240x128xf32, #tpu.memory_space<hbm>> -> memref<640x128xf32, #tpu.memory_space<hbm>>
      tpu.enqueue_dma source(%dma_start3A_91 : memref<640x128xf32, #tpu.memory_space<hbm>>) target(%dma_start3A_89 : memref<640x128xf32, #tpu.memory_space<vmem_shared>>) target_semaphore(%run_scoped3A : memref<!tpu.dma_semaphore, #tpu.memory_space<semaphore_mem>>)
      %dma_wait3A_92 = arith.constant 0 : i32
      %dma_wait3A_93 = tpu.memref_slice %arg12[%mul3A_4, %dma_wait3A_92] : memref<10240x128xf32, #tpu.memory_space<vmem_shared>> -> memref<640x128xf32, #tpu.memory_space<vmem_shared>>
      %dma_wait3A_94 = arith.constant 0 : i32
      %dma_wait3A_95 = tpu.memref_slice %arg4[%mul3A_2, %dma_wait3A_94] : memref<10240x128xf32, #tpu.memory_space<hbm>> -> memref<640x128xf32, #tpu.memory_space<hbm>>
      tpu.wait_dma2 semaphore(%run_scoped3A : memref<!tpu.dma_semaphore, #tpu.memory_space<semaphore_mem>>) src(%dma_wait3A_95 : memref<640x128xf32, #tpu.memory_space<hbm>>) dst(%dma_wait3A_93 : memref<640x128xf32, #tpu.memory_space<vmem_shared>>)
      tpu.yield
    }) : () -> ()
    %barrier3A = arith.constant 0 : index
    tpu.barrier barrier_id(%barrier3A)
    %mul3A_5 = arith.constant 80 : i32
    %mul3A_6 = arith.muli %add3A, %mul3A_5 : i32
    %add3A_7 = arith.constant 0 : i32
    %add3A_8 = arith.addi %mul3A_6, %add3A_7 : i32
    %dma_start3A = arith.constant 0 : i32
    %dma_start3A_9 = arith.constant 0 : i32
    %dma_start3A_10 = tpu.memref_slice %arg3[%add3A_8, %dma_start3A, %dma_start3A_9] : memref<2560x2x128xi32, #tpu.memory_space<hbm>> -> memref<1x2x128xi32, #tpu.memory_space<hbm>>
    %dma_start3A_11 = tpu.memref_squeeze %dma_start3A_10 : memref<1x2x128xi32, #tpu.memory_space<hbm>> -> memref<2x128xi32, #tpu.memory_space<hbm>>
    %dma_start3A_12 = arith.constant 0 : i32
    %dma_start3A_13 = arith.constant 0 : i32
    %dma_start3A_14 = tpu.memref_slice %arg3[%add3A_8, %dma_start3A_12, %dma_start3A_13] : memref<2560x2x128xi32, #tpu.memory_space<hbm>> -> memref<1x2x128xi32, #tpu.memory_space<hbm>>
    %dma_start3A_15 = tpu.memref_squeeze %dma_start3A_14 : memref<1x2x128xi32, #tpu.memory_space<hbm>> -> memref<2x128xi32, #tpu.memory_space<hbm>>
    tpu.enqueue_dma source(%dma_start3A_15 : memref<2x128xi32, #tpu.memory_space<hbm>>) target(%arg6 : memref<2x128xi32, #tpu.memory_space<vmem>>) target_semaphore(%arg15 : memref<!tpu.dma_semaphore, #tpu.memory_space<semaphore_mem>>)
    %add3A_16 = arith.constant 1 : i32
    %add3A_17 = arith.addi %mul3A_6, %add3A_16 : i32
    %dma_start3A_18 = arith.constant 0 : i32
    %dma_start3A_19 = arith.constant 0 : i32
    %dma_start3A_20 = tpu.memref_slice %arg3[%add3A_17, %dma_start3A_18, %dma_start3A_19] : memref<2560x2x128xi32, #tpu.memory_space<hbm>> -> memref<1x2x128xi32, #tpu.memory_space<hbm>>
    %dma_start3A_21 = tpu.memref_squeeze %dma_start3A_20 : memref<1x2x128xi32, #tpu.memory_space<hbm>> -> memref<2x128xi32, #tpu.memory_space<hbm>>
    %dma_start3A_22 = arith.constant 0 : i32
    %dma_start3A_23 = arith.constant 0 : i32
    %dma_start3A_24 = tpu.memref_slice %arg3[%add3A_17, %dma_start3A_22, %dma_start3A_23] : memref<2560x2x128xi32, #tpu.memory_space<hbm>> -> memref<1x2x128xi32, #tpu.memory_space<hbm>>
    %dma_start3A_25 = tpu.memref_squeeze %dma_start3A_24 : memref<1x2x128xi32, #tpu.memory_space<hbm>> -> memref<2x128xi32, #tpu.memory_space<hbm>>
    tpu.enqueue_dma source(%dma_start3A_25 : memref<2x128xi32, #tpu.memory_space<hbm>>) target(%arg7 : memref<2x128xi32, #tpu.memory_space<vmem>>) target_semaphore(%arg16 : memref<!tpu.dma_semaphore, #tpu.memory_space<semaphore_mem>>)
    %add3A_26 = arith.constant 2 : i32
    %add3A_27 = arith.addi %mul3A_6, %add3A_26 : i32
    %dma_start3A_28 = arith.constant 0 : i32
    %dma_start3A_29 = arith.constant 0 : i32
    %dma_start3A_30 = tpu.memref_slice %arg3[%add3A_27, %dma_start3A_28, %dma_start3A_29] : memref<2560x2x128xi32, #tpu.memory_space<hbm>> -> memref<1x2x128xi32, #tpu.memory_space<hbm>>
    %dma_start3A_31 = tpu.memref_squeeze %dma_start3A_30 : memref<1x2x128xi32, #tpu.memory_space<hbm>> -> memref<2x128xi32, #tpu.memory_space<hbm>>
    %dma_start3A_32 = arith.constant 0 : i32
    %dma_start3A_33 = arith.constant 0 : i32
    %dma_start3A_34 = tpu.memref_slice %arg3[%add3A_27, %dma_start3A_32, %dma_start3A_33] : memref<2560x2x128xi32, #tpu.memory_space<hbm>> -> memref<1x2x128xi32, #tpu.memory_space<hbm>>
    %dma_start3A_35 = tpu.memref_squeeze %dma_start3A_34 : memref<1x2x128xi32, #tpu.memory_space<hbm>> -> memref<2x128xi32, #tpu.memory_space<hbm>>
    tpu.enqueue_dma source(%dma_start3A_35 : memref<2x128xi32, #tpu.memory_space<hbm>>) target(%arg8 : memref<2x128xi32, #tpu.memory_space<vmem>>) target_semaphore(%arg17 : memref<!tpu.dma_semaphore, #tpu.memory_space<semaphore_mem>>)
    %add3A_36 = arith.constant 3 : i32
    %add3A_37 = arith.addi %mul3A_6, %add3A_36 : i32
    %dma_start3A_38 = arith.constant 0 : i32
    %dma_start3A_39 = arith.constant 0 : i32
    %dma_start3A_40 = tpu.memref_slice %arg3[%add3A_37, %dma_start3A_38, %dma_start3A_39] : memref<2560x2x128xi32, #tpu.memory_space<hbm>> -> memref<1x2x128xi32, #tpu.memory_space<hbm>>
    %dma_start3A_41 = tpu.memref_squeeze %dma_start3A_40 : memref<1x2x128xi32, #tpu.memory_space<hbm>> -> memref<2x128xi32, #tpu.memory_space<hbm>>
    %dma_start3A_42 = arith.constant 0 : i32
    %dma_start3A_43 = arith.constant 0 : i32
    %dma_start3A_44 = tpu.memref_slice %arg3[%add3A_37, %dma_start3A_42, %dma_start3A_43] : memref<2560x2x128xi32, #tpu.memory_space<hbm>> -> memref<1x2x128xi32, #tpu.memory_space<hbm>>
    %dma_start3A_45 = tpu.memref_squeeze %dma_start3A_44 : memref<1x2x128xi32, #tpu.memory_space<hbm>> -> memref<2x128xi32, #tpu.memory_space<hbm>>
    tpu.enqueue_dma source(%dma_start3A_45 : memref<2x128xi32, #tpu.memory_space<hbm>>) target(%arg9 : memref<2x128xi32, #tpu.memory_space<vmem>>) target_semaphore(%arg18 : memref<!tpu.dma_semaphore, #tpu.memory_space<semaphore_mem>>)
    %add3A_46 = arith.constant 0 : i32
    %add3A_47 = arith.addi %mul3A_6, %add3A_46 : i32
    %dma_wait3A = arith.constant 0 : i32
    %dma_wait3A_48 = arith.constant 0 : i32
    %dma_wait3A_49 = tpu.memref_slice %arg3[%add3A_47, %dma_wait3A, %dma_wait3A_48] : memref<2560x2x128xi32, #tpu.memory_space<hbm>> -> memref<1x2x128xi32, #tpu.memory_space<hbm>>
    %dma_wait3A_50 = tpu.memref_squeeze %dma_wait3A_49 : memref<1x2x128xi32, #tpu.memory_space<hbm>> -> memref<2x128xi32, #tpu.memory_space<hbm>>
    %dma_wait3A_51 = arith.constant 0 : i32
    %dma_wait3A_52 = arith.constant 0 : i32
    %dma_wait3A_53 = tpu.memref_slice %arg3[%add3A_47, %dma_wait3A_51, %dma_wait3A_52] : memref<2560x2x128xi32, #tpu.memory_space<hbm>> -> memref<1x2x128xi32, #tpu.memory_space<hbm>>
    %dma_wait3A_54 = tpu.memref_squeeze %dma_wait3A_53 : memref<1x2x128xi32, #tpu.memory_space<hbm>> -> memref<2x128xi32, #tpu.memory_space<hbm>>
    tpu.wait_dma2 semaphore(%arg15 : memref<!tpu.dma_semaphore, #tpu.memory_space<semaphore_mem>>) src(%dma_wait3A_54 : memref<2x128xi32, #tpu.memory_space<hbm>>) dst(%arg6 : memref<2x128xi32, #tpu.memory_space<vmem>>)
    %dma_start3A_55 = arith.constant 0 : i32
    %dma_start3A_56 = arith.constant 0 : i32
    %dma_start3A_57 = tpu.memref_slice %arg6[%dma_start3A_55, %dma_start3A_56] : memref<2x128xi32, #tpu.memory_space<vmem>> -> memref<1x128xi32, #tpu.memory_space<vmem>>
    %dma_start3A_58 = tpu.memref_squeeze %dma_start3A_57 : memref<1x128xi32, #tpu.memory_space<vmem>> -> memref<128xi32, #tpu.memory_space<vmem>>
    %dma_start3A_59 = arith.constant 0 : i32
    %dma_start3A_60 = arith.constant 0 : i32
    %dma_start3A_61 = tpu.memref_slice %arg2[%dma_start3A_59, %dma_start3A_60] : memref<10000x128xf32, #tpu.memory_space<hbm>> -> memref<10000x128xf32, #tpu.memory_space<hbm>>
    tpu.enqueue_indirect_dma source(%dma_start3A_61 : memref<10000x128xf32, #tpu.memory_space<hbm>>) target(%arg10 : memref<128x128xf32, #tpu.memory_space<vmem>>) offsets(%dma_start3A_58 : memref<128xi32, #tpu.memory_space<vmem>>) semaphore(%arg13 : memref<!tpu.dma_semaphore, #tpu.memory_space<semaphore_mem>>)
    %add3A_62 = arith.constant 1 : i32
    %add3A_63 = arith.addi %mul3A_6, %add3A_62 : i32
    %dma_wait3A_64 = arith.constant 0 : i32
    %dma_wait3A_65 = arith.constant 0 : i32
    %dma_wait3A_66 = tpu.memref_slice %arg3[%add3A_63, %dma_wait3A_64, %dma_wait3A_65] : memref<2560x2x128xi32, #tpu.memory_space<hbm>> -> memref<1x2x128xi32, #tpu.memory_space<hbm>>
    %dma_wait3A_67 = tpu.memref_squeeze %dma_wait3A_66 : memref<1x2x128xi32, #tpu.memory_space<hbm>> -> memref<2x128xi32, #tpu.memory_space<hbm>>
    %dma_wait3A_68 = arith.constant 0 : i32
    %dma_wait3A_69 = arith.constant 0 : i32
    %dma_wait3A_70 = tpu.memref_slice %arg3[%add3A_63, %dma_wait3A_68, %dma_wait3A_69] : memref<2560x2x128xi32, #tpu.memory_space<hbm>> -> memref<1x2x128xi32, #tpu.memory_space<hbm>>
    %dma_wait3A_71 = tpu.memref_squeeze %dma_wait3A_70 : memref<1x2x128xi32, #tpu.memory_space<hbm>> -> memref<2x128xi32, #tpu.memory_space<hbm>>
    tpu.wait_dma2 semaphore(%arg16 : memref<!tpu.dma_semaphore, #tpu.memory_space<semaphore_mem>>) src(%dma_wait3A_71 : memref<2x128xi32, #tpu.memory_space<hbm>>) dst(%arg7 : memref<2x128xi32, #tpu.memory_space<vmem>>)
    %dma_start3A_72 = arith.constant 0 : i32
    %dma_start3A_73 = arith.constant 0 : i32
    %dma_start3A_74 = tpu.memref_slice %arg7[%dma_start3A_72, %dma_start3A_73] : memref<2x128xi32, #tpu.memory_space<vmem>> -> memref<1x128xi32, #tpu.memory_space<vmem>>
    %dma_start3A_75 = tpu.memref_squeeze %dma_start3A_74 : memref<1x128xi32, #tpu.memory_space<vmem>> -> memref<128xi32, #tpu.memory_space<vmem>>
    %dma_start3A_76 = arith.constant 0 : i32
    %dma_start3A_77 = arith.constant 0 : i32
    %dma_start3A_78 = tpu.memref_slice %arg2[%dma_start3A_76, %dma_start3A_77] : memref<10000x128xf32, #tpu.memory_space<hbm>> -> memref<10000x128xf32, #tpu.memory_space<hbm>>
    tpu.enqueue_indirect_dma source(%dma_start3A_78 : memref<10000x128xf32, #tpu.memory_space<hbm>>) target(%arg11 : memref<128x128xf32, #tpu.memory_space<vmem>>) offsets(%dma_start3A_75 : memref<128xi32, #tpu.memory_space<vmem>>) semaphore(%arg14 : memref<!tpu.dma_semaphore, #tpu.memory_space<semaphore_mem>>)
    %scan3A = arith.constant 0 : i32
    %scan3A_79 = arith.constant 20 : i32
    %scan3A_80 = arith.addi %scan3A, %scan3A_79 : i32
    %scan3A_81 = arith.constant 1 : i32
    scf.for %scan3A_88 = %scan3A to %scan3A_80 step %scan3A_81  : i32 {
      %mul3A_89 = arith.constant 1 : i32
      %mul3A_90 = arith.muli %scan3A_88, %mul3A_89 : i32
      %add3A_91 = arith.constant 0 : i32
      %add3A_92 = arith.addi %add3A_91, %mul3A_90 : i32
      %mul3A_93 = arith.constant 4 : i32
      %mul3A_94 = arith.muli %mul3A_93, %add3A_92 : i32
      %add3A_95 = arith.constant 0 : i32
      %add3A_96 = arith.addi %mul3A_94, %add3A_95 : i32
      %dma_wait3A_97 = arith.constant 0 : i32
      %dma_wait3A_98 = arith.constant 0 : i32
      %dma_wait3A_99 = tpu.memref_slice %arg6[%dma_wait3A_97, %dma_wait3A_98] : memref<2x128xi32, #tpu.memory_space<vmem>> -> memref<1x128xi32, #tpu.memory_space<vmem>>
      %dma_wait3A_100 = tpu.memref_squeeze %dma_wait3A_99 : memref<1x128xi32, #tpu.memory_space<vmem>> -> memref<128xi32, #tpu.memory_space<vmem>>
      %dma_wait3A_101 = arith.constant 0 : i32
      %dma_wait3A_102 = arith.constant 0 : i32
      %dma_wait3A_103 = tpu.memref_slice %arg2[%dma_wait3A_101, %dma_wait3A_102] : memref<10000x128xf32, #tpu.memory_space<hbm>> -> memref<10000x128xf32, #tpu.memory_space<hbm>>
      tpu.wait_indirect_dma semaphore(%arg13 : memref<!tpu.dma_semaphore, #tpu.memory_space<semaphore_mem>>) src(%dma_wait3A_103 : memref<10000x128xf32, #tpu.memory_space<hbm>>) dst(%arg10 : memref<128x128xf32, #tpu.memory_space<vmem>>)
      %run_scoped3A = arith.constant 1 : i32
      "tpu.region"() ({
        %run_scoped3A_193 = tpu.sem_alloc : memref<!tpu.dma_semaphore, #tpu.memory_space<semaphore_mem>>
        %dma_start3A_194 = arith.constant 0 : i32
        %dma_start3A_195 = tpu.memref_slice %arg6[%run_scoped3A, %dma_start3A_194] : memref<2x128xi32, #tpu.memory_space<vmem>> -> memref<1x128xi32, #tpu.memory_space<vmem>>
        %dma_start3A_196 = tpu.memref_squeeze %dma_start3A_195 : memref<1x128xi32, #tpu.memory_space<vmem>> -> memref<128xi32, #tpu.memory_space<vmem>>
        %dma_start3A_197 = arith.constant 0 : i32
        %dma_start3A_198 = arith.constant 0 : i32
        %dma_start3A_199 = tpu.memref_slice %arg12[%dma_start3A_197, %dma_start3A_198] : memref<10240x128xf32, #tpu.memory_space<vmem_shared>> -> memref<10240x128xf32, #tpu.memory_space<vmem_shared>>
        tpu.enqueue_indirect_dma source(%arg10 : memref<128x128xf32, #tpu.memory_space<vmem>>) target(%dma_start3A_199 : memref<10240x128xf32, #tpu.memory_space<vmem_shared>>) offsets(%dma_start3A_196 : memref<128xi32, #tpu.memory_space<vmem>>) semaphore(%run_scoped3A_193 : memref<!tpu.dma_semaphore, #tpu.memory_space<semaphore_mem>>) {add = true}
        %dma_wait3A_200 = arith.constant 0 : i32
        %dma_wait3A_201 = tpu.memref_slice %arg6[%run_scoped3A, %dma_wait3A_200] : memref<2x128xi32, #tpu.memory_space<vmem>> -> memref<1x128xi32, #tpu.memory_space<vmem>>
        %dma_wait3A_202 = tpu.memref_squeeze %dma_wait3A_201 : memref<1x128xi32, #tpu.memory_space<vmem>> -> memref<128xi32, #tpu.memory_space<vmem>>
        %dma_wait3A_203 = arith.constant 0 : i32
        %dma_wait3A_204 = arith.constant 0 : i32
        %dma_wait3A_205 = tpu.memref_slice %arg12[%dma_wait3A_203, %dma_wait3A_204] : memref<10240x128xf32, #tpu.memory_space<vmem_shared>> -> memref<10240x128xf32, #tpu.memory_space<vmem_shared>>
        tpu.wait_indirect_dma semaphore(%run_scoped3A_193 : memref<!tpu.dma_semaphore, #tpu.memory_space<semaphore_mem>>) src(%arg10 : memref<128x128xf32, #tpu.memory_space<vmem>>) dst(%dma_wait3A_205 : memref<10240x128xf32, #tpu.memory_space<vmem_shared>>)
        tpu.yield
      }) : () -> ()
      %add3A_104 = arith.constant 4 : i32
      %add3A_105 = arith.addi %add3A_96, %add3A_104 : i32
      %lt3A = arith.constant 80 : i32
      %lt3A_106 = arith.cmpi slt, %add3A_105, %lt3A : i32
      %convert_element_type3A = arith.extui %lt3A_106 : i1 to i32
      %cond3A = arith.constant 0 : i32
      %cond3A_107 = arith.cmpi ne, %convert_element_type3A, %cond3A : i32
      scf.if %cond3A_107 {
        %add3A_193 = arith.constant 4 : i32
        %add3A_194 = arith.addi %add3A_96, %add3A_193 : i32
        %add3A_195 = arith.addi %mul3A_6, %add3A_194 : i32
        %dma_start3A_196 = arith.constant 0 : i32
        %dma_start3A_197 = arith.constant 0 : i32
        %dma_start3A_198 = tpu.memref_slice %arg3[%add3A_195, %dma_start3A_196, %dma_start3A_197] : memref<2560x2x128xi32, #tpu.memory_space<hbm>> -> memref<1x2x128xi32, #tpu.memory_space<hbm>>
        %dma_start3A_199 = tpu.memref_squeeze %dma_start3A_198 : memref<1x2x128xi32, #tpu.memory_space<hbm>> -> memref<2x128xi32, #tpu.memory_space<hbm>>
        %dma_start3A_200 = arith.constant 0 : i32
        %dma_start3A_201 = arith.constant 0 : i32
        %dma_start3A_202 = tpu.memref_slice %arg3[%add3A_195, %dma_start3A_200, %dma_start3A_201] : memref<2560x2x128xi32, #tpu.memory_space<hbm>> -> memref<1x2x128xi32, #tpu.memory_space<hbm>>
        %dma_start3A_203 = tpu.memref_squeeze %dma_start3A_202 : memref<1x2x128xi32, #tpu.memory_space<hbm>> -> memref<2x128xi32, #tpu.memory_space<hbm>>
        tpu.enqueue_dma source(%dma_start3A_203 : memref<2x128xi32, #tpu.memory_space<hbm>>) target(%arg6 : memref<2x128xi32, #tpu.memory_space<vmem>>) target_semaphore(%arg15 : memref<!tpu.dma_semaphore, #tpu.memory_space<semaphore_mem>>)
      } else {
      }
      %add3A_108 = arith.constant 2 : i32
      %add3A_109 = arith.addi %add3A_96, %add3A_108 : i32
      %lt3A_110 = arith.constant 80 : i32
      %lt3A_111 = arith.cmpi slt, %add3A_109, %lt3A_110 : i32
      %convert_element_type3A_112 = arith.extui %lt3A_111 : i1 to i32
      %cond3A_113 = arith.constant 0 : i32
      %cond3A_114 = arith.cmpi ne, %convert_element_type3A_112, %cond3A_113 : i32
      scf.if %cond3A_114 {
        %add3A_193 = arith.constant 2 : i32
        %add3A_194 = arith.addi %add3A_96, %add3A_193 : i32
        %add3A_195 = arith.addi %mul3A_6, %add3A_194 : i32
        %dma_wait3A_196 = arith.constant 0 : i32
        %dma_wait3A_197 = arith.constant 0 : i32
        %dma_wait3A_198 = tpu.memref_slice %arg3[%add3A_195, %dma_wait3A_196, %dma_wait3A_197] : memref<2560x2x128xi32, #tpu.memory_space<hbm>> -> memref<1x2x128xi32, #tpu.memory_space<hbm>>
        %dma_wait3A_199 = tpu.memref_squeeze %dma_wait3A_198 : memref<1x2x128xi32, #tpu.memory_space<hbm>> -> memref<2x128xi32, #tpu.memory_space<hbm>>
        %dma_wait3A_200 = arith.constant 0 : i32
        %dma_wait3A_201 = arith.constant 0 : i32
        %dma_wait3A_202 = tpu.memref_slice %arg3[%add3A_195, %dma_wait3A_200, %dma_wait3A_201] : memref<2560x2x128xi32, #tpu.memory_space<hbm>> -> memref<1x2x128xi32, #tpu.memory_space<hbm>>
        %dma_wait3A_203 = tpu.memref_squeeze %dma_wait3A_202 : memref<1x2x128xi32, #tpu.memory_space<hbm>> -> memref<2x128xi32, #tpu.memory_space<hbm>>
        tpu.wait_dma2 semaphore(%arg17 : memref<!tpu.dma_semaphore, #tpu.memory_space<semaphore_mem>>) src(%dma_wait3A_203 : memref<2x128xi32, #tpu.memory_space<hbm>>) dst(%arg8 : memref<2x128xi32, #tpu.memory_space<vmem>>)
        %dma_start3A_204 = arith.constant 0 : i32
        %dma_start3A_205 = arith.constant 0 : i32
        %dma_start3A_206 = tpu.memref_slice %arg8[%dma_start3A_204, %dma_start3A_205] : memref<2x128xi32, #tpu.memory_space<vmem>> -> memref<1x128xi32, #tpu.memory_space<vmem>>
        %dma_start3A_207 = tpu.memref_squeeze %dma_start3A_206 : memref<1x128xi32, #tpu.memory_space<vmem>> -> memref<128xi32, #tpu.memory_space<vmem>>
        %dma_start3A_208 = arith.constant 0 : i32
        %dma_start3A_209 = arith.constant 0 : i32
        %dma_start3A_210 = tpu.memref_slice %arg2[%dma_start3A_208, %dma_start3A_209] : memref<10000x128xf32, #tpu.memory_space<hbm>> -> memref<10000x128xf32, #tpu.memory_space<hbm>>
        tpu.enqueue_indirect_dma source(%dma_start3A_210 : memref<10000x128xf32, #tpu.memory_space<hbm>>) target(%arg10 : memref<128x128xf32, #tpu.memory_space<vmem>>) offsets(%dma_start3A_207 : memref<128xi32, #tpu.memory_space<vmem>>) semaphore(%arg13 : memref<!tpu.dma_semaphore, #tpu.memory_space<semaphore_mem>>)
      } else {
      }
      %mul3A_115 = arith.constant 4 : i32
      %mul3A_116 = arith.muli %mul3A_115, %add3A_92 : i32
      %add3A_117 = arith.constant 1 : i32
      %add3A_118 = arith.addi %mul3A_116, %add3A_117 : i32
      %dma_wait3A_119 = arith.constant 0 : i32
      %dma_wait3A_120 = arith.constant 0 : i32
      %dma_wait3A_121 = tpu.memref_slice %arg7[%dma_wait3A_119, %dma_wait3A_120] : memref<2x128xi32, #tpu.memory_space<vmem>> -> memref<1x128xi32, #tpu.memory_space<vmem>>
      %dma_wait3A_122 = tpu.memref_squeeze %dma_wait3A_121 : memref<1x128xi32, #tpu.memory_space<vmem>> -> memref<128xi32, #tpu.memory_space<vmem>>
      %dma_wait3A_123 = arith.constant 0 : i32
      %dma_wait3A_124 = arith.constant 0 : i32
      %dma_wait3A_125 = tpu.memref_slice %arg2[%dma_wait3A_123, %dma_wait3A_124] : memref<10000x128xf32, #tpu.memory_space<hbm>> -> memref<10000x128xf32, #tpu.memory_space<hbm>>
      tpu.wait_indirect_dma semaphore(%arg14 : memref<!tpu.dma_semaphore, #tpu.memory_space<semaphore_mem>>) src(%dma_wait3A_125 : memref<10000x128xf32, #tpu.memory_space<hbm>>) dst(%arg11 : memref<128x128xf32, #tpu.memory_space<vmem>>)
      %run_scoped3A_126 = arith.constant 1 : i32
      "tpu.region"() ({
        %run_scoped3A_193 = tpu.sem_alloc : memref<!tpu.dma_semaphore, #tpu.memory_space<semaphore_mem>>
        %dma_start3A_194 = arith.constant 0 : i32
        %dma_start3A_195 = tpu.memref_slice %arg7[%run_scoped3A_126, %dma_start3A_194] : memref<2x128xi32, #tpu.memory_space<vmem>> -> memref<1x128xi32, #tpu.memory_space<vmem>>
        %dma_start3A_196 = tpu.memref_squeeze %dma_start3A_195 : memref<1x128xi32, #tpu.memory_space<vmem>> -> memref<128xi32, #tpu.memory_space<vmem>>
        %dma_start3A_197 = arith.constant 0 : i32
        %dma_start3A_198 = arith.constant 0 : i32
        %dma_start3A_199 = tpu.memref_slice %arg12[%dma_start3A_197, %dma_start3A_198] : memref<10240x128xf32, #tpu.memory_space<vmem_shared>> -> memref<10240x128xf32, #tpu.memory_space<vmem_shared>>
        tpu.enqueue_indirect_dma source(%arg11 : memref<128x128xf32, #tpu.memory_space<vmem>>) target(%dma_start3A_199 : memref<10240x128xf32, #tpu.memory_space<vmem_shared>>) offsets(%dma_start3A_196 : memref<128xi32, #tpu.memory_space<vmem>>) semaphore(%run_scoped3A_193 : memref<!tpu.dma_semaphore, #tpu.memory_space<semaphore_mem>>) {add = true}
        %dma_wait3A_200 = arith.constant 0 : i32
        %dma_wait3A_201 = tpu.memref_slice %arg7[%run_scoped3A_126, %dma_wait3A_200] : memref<2x128xi32, #tpu.memory_space<vmem>> -> memref<1x128xi32, #tpu.memory_space<vmem>>
        %dma_wait3A_202 = tpu.memref_squeeze %dma_wait3A_201 : memref<1x128xi32, #tpu.memory_space<vmem>> -> memref<128xi32, #tpu.memory_space<vmem>>
        %dma_wait3A_203 = arith.constant 0 : i32
        %dma_wait3A_204 = arith.constant 0 : i32
        %dma_wait3A_205 = tpu.memref_slice %arg12[%dma_wait3A_203, %dma_wait3A_204] : memref<10240x128xf32, #tpu.memory_space<vmem_shared>> -> memref<10240x128xf32, #tpu.memory_space<vmem_shared>>
        tpu.wait_indirect_dma semaphore(%run_scoped3A_193 : memref<!tpu.dma_semaphore, #tpu.memory_space<semaphore_mem>>) src(%arg11 : memref<128x128xf32, #tpu.memory_space<vmem>>) dst(%dma_wait3A_205 : memref<10240x128xf32, #tpu.memory_space<vmem_shared>>)
        tpu.yield
      }) : () -> ()
      %add3A_127 = arith.constant 4 : i32
      %add3A_128 = arith.addi %add3A_118, %add3A_127 : i32
      %lt3A_129 = arith.constant 80 : i32
      %lt3A_130 = arith.cmpi slt, %add3A_128, %lt3A_129 : i32
      %convert_element_type3A_131 = arith.extui %lt3A_130 : i1 to i32
      %cond3A_132 = arith.constant 0 : i32
      %cond3A_133 = arith.cmpi ne, %convert_element_type3A_131, %cond3A_132 : i32
      scf.if %cond3A_133 {
        %add3A_193 = arith.constant 4 : i32
        %add3A_194 = arith.addi %add3A_118, %add3A_193 : i32
        %add3A_195 = arith.addi %mul3A_6, %add3A_194 : i32
        %dma_start3A_196 = arith.constant 0 : i32
        %dma_start3A_197 = arith.constant 0 : i32
        %dma_start3A_198 = tpu.memref_slice %arg3[%add3A_195, %dma_start3A_196, %dma_start3A_197] : memref<2560x2x128xi32, #tpu.memory_space<hbm>> -> memref<1x2x128xi32, #tpu.memory_space<hbm>>
        %dma_start3A_199 = tpu.memref_squeeze %dma_start3A_198 : memref<1x2x128xi32, #tpu.memory_space<hbm>> -> memref<2x128xi32, #tpu.memory_space<hbm>>
        %dma_start3A_200 = arith.constant 0 : i32
        %dma_start3A_201 = arith.constant 0 : i32
        %dma_start3A_202 = tpu.memref_slice %arg3[%add3A_195, %dma_start3A_200, %dma_start3A_201] : memref<2560x2x128xi32, #tpu.memory_space<hbm>> -> memref<1x2x128xi32, #tpu.memory_space<hbm>>
        %dma_start3A_203 = tpu.memref_squeeze %dma_start3A_202 : memref<1x2x128xi32, #tpu.memory_space<hbm>> -> memref<2x128xi32, #tpu.memory_space<hbm>>
        tpu.enqueue_dma source(%dma_start3A_203 : memref<2x128xi32, #tpu.memory_space<hbm>>) target(%arg7 : memref<2x128xi32, #tpu.memory_space<vmem>>) target_semaphore(%arg16 : memref<!tpu.dma_semaphore, #tpu.memory_space<semaphore_mem>>)
      } else {
      }
      %add3A_134 = arith.constant 2 : i32
      %add3A_135 = arith.addi %add3A_118, %add3A_134 : i32
      %lt3A_136 = arith.constant 80 : i32
      %lt3A_137 = arith.cmpi slt, %add3A_135, %lt3A_136 : i32
      %convert_element_type3A_138 = arith.extui %lt3A_137 : i1 to i32
      %cond3A_139 = arith.constant 0 : i32
      %cond3A_140 = arith.cmpi ne, %convert_element_type3A_138, %cond3A_139 : i32
      scf.if %cond3A_140 {
        %add3A_193 = arith.constant 2 : i32
        %add3A_194 = arith.addi %add3A_118, %add3A_193 : i32
        %add3A_195 = arith.addi %mul3A_6, %add3A_194 : i32
        %dma_wait3A_196 = arith.constant 0 : i32
        %dma_wait3A_197 = arith.constant 0 : i32
        %dma_wait3A_198 = tpu.memref_slice %arg3[%add3A_195, %dma_wait3A_196, %dma_wait3A_197] : memref<2560x2x128xi32, #tpu.memory_space<hbm>> -> memref<1x2x128xi32, #tpu.memory_space<hbm>>
        %dma_wait3A_199 = tpu.memref_squeeze %dma_wait3A_198 : memref<1x2x128xi32, #tpu.memory_space<hbm>> -> memref<2x128xi32, #tpu.memory_space<hbm>>
        %dma_wait3A_200 = arith.constant 0 : i32
        %dma_wait3A_201 = arith.constant 0 : i32
        %dma_wait3A_202 = tpu.memref_slice %arg3[%add3A_195, %dma_wait3A_200, %dma_wait3A_201] : memref<2560x2x128xi32, #tpu.memory_space<hbm>> -> memref<1x2x128xi32, #tpu.memory_space<hbm>>
        %dma_wait3A_203 = tpu.memref_squeeze %dma_wait3A_202 : memref<1x2x128xi32, #tpu.memory_space<hbm>> -> memref<2x128xi32, #tpu.memory_space<hbm>>
        tpu.wait_dma2 semaphore(%arg18 : memref<!tpu.dma_semaphore, #tpu.memory_space<semaphore_mem>>) src(%dma_wait3A_203 : memref<2x128xi32, #tpu.memory_space<hbm>>) dst(%arg9 : memref<2x128xi32, #tpu.memory_space<vmem>>)
        %dma_start3A_204 = arith.constant 0 : i32
        %dma_start3A_205 = arith.constant 0 : i32
        %dma_start3A_206 = tpu.memref_slice %arg9[%dma_start3A_204, %dma_start3A_205] : memref<2x128xi32, #tpu.memory_space<vmem>> -> memref<1x128xi32, #tpu.memory_space<vmem>>
        %dma_start3A_207 = tpu.memref_squeeze %dma_start3A_206 : memref<1x128xi32, #tpu.memory_space<vmem>> -> memref<128xi32, #tpu.memory_space<vmem>>
        %dma_start3A_208 = arith.constant 0 : i32
        %dma_start3A_209 = arith.constant 0 : i32
        %dma_start3A_210 = tpu.memref_slice %arg2[%dma_start3A_208, %dma_start3A_209] : memref<10000x128xf32, #tpu.memory_space<hbm>> -> memref<10000x128xf32, #tpu.memory_space<hbm>>
        tpu.enqueue_indirect_dma source(%dma_start3A_210 : memref<10000x128xf32, #tpu.memory_space<hbm>>) target(%arg11 : memref<128x128xf32, #tpu.memory_space<vmem>>) offsets(%dma_start3A_207 : memref<128xi32, #tpu.memory_space<vmem>>) semaphore(%arg14 : memref<!tpu.dma_semaphore, #tpu.memory_space<semaphore_mem>>)
      } else {
      }
      %mul3A_141 = arith.constant 4 : i32
      %mul3A_142 = arith.muli %mul3A_141, %add3A_92 : i32
      %add3A_143 = arith.constant 2 : i32
      %add3A_144 = arith.addi %mul3A_142, %add3A_143 : i32
      %dma_wait3A_145 = arith.constant 0 : i32
      %dma_wait3A_146 = arith.constant 0 : i32
      %dma_wait3A_147 = tpu.memref_slice %arg8[%dma_wait3A_145, %dma_wait3A_146] : memref<2x128xi32, #tpu.memory_space<vmem>> -> memref<1x128xi32, #tpu.memory_space<vmem>>
      %dma_wait3A_148 = tpu.memref_squeeze %dma_wait3A_147 : memref<1x128xi32, #tpu.memory_space<vmem>> -> memref<128xi32, #tpu.memory_space<vmem>>
      %dma_wait3A_149 = arith.constant 0 : i32
      %dma_wait3A_150 = arith.constant 0 : i32
      %dma_wait3A_151 = tpu.memref_slice %arg2[%dma_wait3A_149, %dma_wait3A_150] : memref<10000x128xf32, #tpu.memory_space<hbm>> -> memref<10000x128xf32, #tpu.memory_space<hbm>>
      tpu.wait_indirect_dma semaphore(%arg13 : memref<!tpu.dma_semaphore, #tpu.memory_space<semaphore_mem>>) src(%dma_wait3A_151 : memref<10000x128xf32, #tpu.memory_space<hbm>>) dst(%arg10 : memref<128x128xf32, #tpu.memory_space<vmem>>)
      %run_scoped3A_152 = arith.constant 1 : i32
      "tpu.region"() ({
        %run_scoped3A_193 = tpu.sem_alloc : memref<!tpu.dma_semaphore, #tpu.memory_space<semaphore_mem>>
        %dma_start3A_194 = arith.constant 0 : i32
        %dma_start3A_195 = tpu.memref_slice %arg8[%run_scoped3A_152, %dma_start3A_194] : memref<2x128xi32, #tpu.memory_space<vmem>> -> memref<1x128xi32, #tpu.memory_space<vmem>>
        %dma_start3A_196 = tpu.memref_squeeze %dma_start3A_195 : memref<1x128xi32, #tpu.memory_space<vmem>> -> memref<128xi32, #tpu.memory_space<vmem>>
        %dma_start3A_197 = arith.constant 0 : i32
        %dma_start3A_198 = arith.constant 0 : i32
        %dma_start3A_199 = tpu.memref_slice %arg12[%dma_start3A_197, %dma_start3A_198] : memref<10240x128xf32, #tpu.memory_space<vmem_shared>> -> memref<10240x128xf32, #tpu.memory_space<vmem_shared>>
        tpu.enqueue_indirect_dma source(%arg10 : memref<128x128xf32, #tpu.memory_space<vmem>>) target(%dma_start3A_199 : memref<10240x128xf32, #tpu.memory_space<vmem_shared>>) offsets(%dma_start3A_196 : memref<128xi32, #tpu.memory_space<vmem>>) semaphore(%run_scoped3A_193 : memref<!tpu.dma_semaphore, #tpu.memory_space<semaphore_mem>>) {add = true}
        %dma_wait3A_200 = arith.constant 0 : i32
        %dma_wait3A_201 = tpu.memref_slice %arg8[%run_scoped3A_152, %dma_wait3A_200] : memref<2x128xi32, #tpu.memory_space<vmem>> -> memref<1x128xi32, #tpu.memory_space<vmem>>
        %dma_wait3A_202 = tpu.memref_squeeze %dma_wait3A_201 : memref<1x128xi32, #tpu.memory_space<vmem>> -> memref<128xi32, #tpu.memory_space<vmem>>
        %dma_wait3A_203 = arith.constant 0 : i32
        %dma_wait3A_204 = arith.constant 0 : i32
        %dma_wait3A_205 = tpu.memref_slice %arg12[%dma_wait3A_203, %dma_wait3A_204] : memref<10240x128xf32, #tpu.memory_space<vmem_shared>> -> memref<10240x128xf32, #tpu.memory_space<vmem_shared>>
        tpu.wait_indirect_dma semaphore(%run_scoped3A_193 : memref<!tpu.dma_semaphore, #tpu.memory_space<semaphore_mem>>) src(%arg10 : memref<128x128xf32, #tpu.memory_space<vmem>>) dst(%dma_wait3A_205 : memref<10240x128xf32, #tpu.memory_space<vmem_shared>>)
        tpu.yield
      }) : () -> ()
      %add3A_153 = arith.constant 4 : i32
      %add3A_154 = arith.addi %add3A_144, %add3A_153 : i32
      %lt3A_155 = arith.constant 80 : i32
      %lt3A_156 = arith.cmpi slt, %add3A_154, %lt3A_155 : i32
      %convert_element_type3A_157 = arith.extui %lt3A_156 : i1 to i32
      %cond3A_158 = arith.constant 0 : i32
      %cond3A_159 = arith.cmpi ne, %convert_element_type3A_157, %cond3A_158 : i32
      scf.if %cond3A_159 {
        %add3A_193 = arith.constant 4 : i32
        %add3A_194 = arith.addi %add3A_144, %add3A_193 : i32
        %add3A_195 = arith.addi %mul3A_6, %add3A_194 : i32
        %dma_start3A_196 = arith.constant 0 : i32
        %dma_start3A_197 = arith.constant 0 : i32
        %dma_start3A_198 = tpu.memref_slice %arg3[%add3A_195, %dma_start3A_196, %dma_start3A_197] : memref<2560x2x128xi32, #tpu.memory_space<hbm>> -> memref<1x2x128xi32, #tpu.memory_space<hbm>>
        %dma_start3A_199 = tpu.memref_squeeze %dma_start3A_198 : memref<1x2x128xi32, #tpu.memory_space<hbm>> -> memref<2x128xi32, #tpu.memory_space<hbm>>
        %dma_start3A_200 = arith.constant 0 : i32
        %dma_start3A_201 = arith.constant 0 : i32
        %dma_start3A_202 = tpu.memref_slice %arg3[%add3A_195, %dma_start3A_200, %dma_start3A_201] : memref<2560x2x128xi32, #tpu.memory_space<hbm>> -> memref<1x2x128xi32, #tpu.memory_space<hbm>>
        %dma_start3A_203 = tpu.memref_squeeze %dma_start3A_202 : memref<1x2x128xi32, #tpu.memory_space<hbm>> -> memref<2x128xi32, #tpu.memory_space<hbm>>
        tpu.enqueue_dma source(%dma_start3A_203 : memref<2x128xi32, #tpu.memory_space<hbm>>) target(%arg8 : memref<2x128xi32, #tpu.memory_space<vmem>>) target_semaphore(%arg17 : memref<!tpu.dma_semaphore, #tpu.memory_space<semaphore_mem>>)
      } else {
      }
      %add3A_160 = arith.constant 2 : i32
      %add3A_161 = arith.addi %add3A_144, %add3A_160 : i32
      %lt3A_162 = arith.constant 80 : i32
      %lt3A_163 = arith.cmpi slt, %add3A_161, %lt3A_162 : i32
      %convert_element_type3A_164 = arith.extui %lt3A_163 : i1 to i32
      %cond3A_165 = arith.constant 0 : i32
      %cond3A_166 = arith.cmpi ne, %convert_element_type3A_164, %cond3A_165 : i32
      scf.if %cond3A_166 {
        %add3A_193 = arith.constant 2 : i32
        %add3A_194 = arith.addi %add3A_144, %add3A_193 : i32
        %add3A_195 = arith.addi %mul3A_6, %add3A_194 : i32
        %dma_wait3A_196 = arith.constant 0 : i32
        %dma_wait3A_197 = arith.constant 0 : i32
        %dma_wait3A_198 = tpu.memref_slice %arg3[%add3A_195, %dma_wait3A_196, %dma_wait3A_197] : memref<2560x2x128xi32, #tpu.memory_space<hbm>> -> memref<1x2x128xi32, #tpu.memory_space<hbm>>
        %dma_wait3A_199 = tpu.memref_squeeze %dma_wait3A_198 : memref<1x2x128xi32, #tpu.memory_space<hbm>> -> memref<2x128xi32, #tpu.memory_space<hbm>>
        %dma_wait3A_200 = arith.constant 0 : i32
        %dma_wait3A_201 = arith.constant 0 : i32
        %dma_wait3A_202 = tpu.memref_slice %arg3[%add3A_195, %dma_wait3A_200, %dma_wait3A_201] : memref<2560x2x128xi32, #tpu.memory_space<hbm>> -> memref<1x2x128xi32, #tpu.memory_space<hbm>>
        %dma_wait3A_203 = tpu.memref_squeeze %dma_wait3A_202 : memref<1x2x128xi32, #tpu.memory_space<hbm>> -> memref<2x128xi32, #tpu.memory_space<hbm>>
        tpu.wait_dma2 semaphore(%arg15 : memref<!tpu.dma_semaphore, #tpu.memory_space<semaphore_mem>>) src(%dma_wait3A_203 : memref<2x128xi32, #tpu.memory_space<hbm>>) dst(%arg6 : memref<2x128xi32, #tpu.memory_space<vmem>>)
        %dma_start3A_204 = arith.constant 0 : i32
        %dma_start3A_205 = arith.constant 0 : i32
        %dma_start3A_206 = tpu.memref_slice %arg6[%dma_start3A_204, %dma_start3A_205] : memref<2x128xi32, #tpu.memory_space<vmem>> -> memref<1x128xi32, #tpu.memory_space<vmem>>
        %dma_start3A_207 = tpu.memref_squeeze %dma_start3A_206 : memref<1x128xi32, #tpu.memory_space<vmem>> -> memref<128xi32, #tpu.memory_space<vmem>>
        %dma_start3A_208 = arith.constant 0 : i32
        %dma_start3A_209 = arith.constant 0 : i32
        %dma_start3A_210 = tpu.memref_slice %arg2[%dma_start3A_208, %dma_start3A_209] : memref<10000x128xf32, #tpu.memory_space<hbm>> -> memref<10000x128xf32, #tpu.memory_space<hbm>>
        tpu.enqueue_indirect_dma source(%dma_start3A_210 : memref<10000x128xf32, #tpu.memory_space<hbm>>) target(%arg10 : memref<128x128xf32, #tpu.memory_space<vmem>>) offsets(%dma_start3A_207 : memref<128xi32, #tpu.memory_space<vmem>>) semaphore(%arg13 : memref<!tpu.dma_semaphore, #tpu.memory_space<semaphore_mem>>)
      } else {
      }
      %mul3A_167 = arith.constant 4 : i32
      %mul3A_168 = arith.muli %mul3A_167, %add3A_92 : i32
      %add3A_169 = arith.constant 3 : i32
      %add3A_170 = arith.addi %mul3A_168, %add3A_169 : i32
      %dma_wait3A_171 = arith.constant 0 : i32
      %dma_wait3A_172 = arith.constant 0 : i32
      %dma_wait3A_173 = tpu.memref_slice %arg9[%dma_wait3A_171, %dma_wait3A_172] : memref<2x128xi32, #tpu.memory_space<vmem>> -> memref<1x128xi32, #tpu.memory_space<vmem>>
      %dma_wait3A_174 = tpu.memref_squeeze %dma_wait3A_173 : memref<1x128xi32, #tpu.memory_space<vmem>> -> memref<128xi32, #tpu.memory_space<vmem>>
      %dma_wait3A_175 = arith.constant 0 : i32
      %dma_wait3A_176 = arith.constant 0 : i32
      %dma_wait3A_177 = tpu.memref_slice %arg2[%dma_wait3A_175, %dma_wait3A_176] : memref<10000x128xf32, #tpu.memory_space<hbm>> -> memref<10000x128xf32, #tpu.memory_space<hbm>>
      tpu.wait_indirect_dma semaphore(%arg14 : memref<!tpu.dma_semaphore, #tpu.memory_space<semaphore_mem>>) src(%dma_wait3A_177 : memref<10000x128xf32, #tpu.memory_space<hbm>>) dst(%arg11 : memref<128x128xf32, #tpu.memory_space<vmem>>)
      %run_scoped3A_178 = arith.constant 1 : i32
      "tpu.region"() ({
        %run_scoped3A_193 = tpu.sem_alloc : memref<!tpu.dma_semaphore, #tpu.memory_space<semaphore_mem>>
        %dma_start3A_194 = arith.constant 0 : i32
        %dma_start3A_195 = tpu.memref_slice %arg9[%run_scoped3A_178, %dma_start3A_194] : memref<2x128xi32, #tpu.memory_space<vmem>> -> memref<1x128xi32, #tpu.memory_space<vmem>>
        %dma_start3A_196 = tpu.memref_squeeze %dma_start3A_195 : memref<1x128xi32, #tpu.memory_space<vmem>> -> memref<128xi32, #tpu.memory_space<vmem>>
        %dma_start3A_197 = arith.constant 0 : i32
        %dma_start3A_198 = arith.constant 0 : i32
        %dma_start3A_199 = tpu.memref_slice %arg12[%dma_start3A_197, %dma_start3A_198] : memref<10240x128xf32, #tpu.memory_space<vmem_shared>> -> memref<10240x128xf32, #tpu.memory_space<vmem_shared>>
        tpu.enqueue_indirect_dma source(%arg11 : memref<128x128xf32, #tpu.memory_space<vmem>>) target(%dma_start3A_199 : memref<10240x128xf32, #tpu.memory_space<vmem_shared>>) offsets(%dma_start3A_196 : memref<128xi32, #tpu.memory_space<vmem>>) semaphore(%run_scoped3A_193 : memref<!tpu.dma_semaphore, #tpu.memory_space<semaphore_mem>>) {add = true}
        %dma_wait3A_200 = arith.constant 0 : i32
        %dma_wait3A_201 = tpu.memref_slice %arg9[%run_scoped3A_178, %dma_wait3A_200] : memref<2x128xi32, #tpu.memory_space<vmem>> -> memref<1x128xi32, #tpu.memory_space<vmem>>
        %dma_wait3A_202 = tpu.memref_squeeze %dma_wait3A_201 : memref<1x128xi32, #tpu.memory_space<vmem>> -> memref<128xi32, #tpu.memory_space<vmem>>
        %dma_wait3A_203 = arith.constant 0 : i32
        %dma_wait3A_204 = arith.constant 0 : i32
        %dma_wait3A_205 = tpu.memref_slice %arg12[%dma_wait3A_203, %dma_wait3A_204] : memref<10240x128xf32, #tpu.memory_space<vmem_shared>> -> memref<10240x128xf32, #tpu.memory_space<vmem_shared>>
        tpu.wait_indirect_dma semaphore(%run_scoped3A_193 : memref<!tpu.dma_semaphore, #tpu.memory_space<semaphore_mem>>) src(%arg11 : memref<128x128xf32, #tpu.memory_space<vmem>>) dst(%dma_wait3A_205 : memref<10240x128xf32, #tpu.memory_space<vmem_shared>>)
        tpu.yield
      }) : () -> ()
      %add3A_179 = arith.constant 4 : i32
      %add3A_180 = arith.addi %add3A_170, %add3A_179 : i32
      %lt3A_181 = arith.constant 80 : i32
      %lt3A_182 = arith.cmpi slt, %add3A_180, %lt3A_181 : i32
      %convert_element_type3A_183 = arith.extui %lt3A_182 : i1 to i32
      %cond3A_184 = arith.constant 0 : i32
      %cond3A_185 = arith.cmpi ne, %convert_element_type3A_183, %cond3A_184 : i32
      scf.if %cond3A_185 {
        %add3A_193 = arith.constant 4 : i32
        %add3A_194 = arith.addi %add3A_170, %add3A_193 : i32
        %add3A_195 = arith.addi %mul3A_6, %add3A_194 : i32
        %dma_start3A_196 = arith.constant 0 : i32
        %dma_start3A_197 = arith.constant 0 : i32
        %dma_start3A_198 = tpu.memref_slice %arg3[%add3A_195, %dma_start3A_196, %dma_start3A_197] : memref<2560x2x128xi32, #tpu.memory_space<hbm>> -> memref<1x2x128xi32, #tpu.memory_space<hbm>>
        %dma_start3A_199 = tpu.memref_squeeze %dma_start3A_198 : memref<1x2x128xi32, #tpu.memory_space<hbm>> -> memref<2x128xi32, #tpu.memory_space<hbm>>
        %dma_start3A_200 = arith.constant 0 : i32
        %dma_start3A_201 = arith.constant 0 : i32
        %dma_start3A_202 = tpu.memref_slice %arg3[%add3A_195, %dma_start3A_200, %dma_start3A_201] : memref<2560x2x128xi32, #tpu.memory_space<hbm>> -> memref<1x2x128xi32, #tpu.memory_space<hbm>>
        %dma_start3A_203 = tpu.memref_squeeze %dma_start3A_202 : memref<1x2x128xi32, #tpu.memory_space<hbm>> -> memref<2x128xi32, #tpu.memory_space<hbm>>
        tpu.enqueue_dma source(%dma_start3A_203 : memref<2x128xi32, #tpu.memory_space<hbm>>) target(%arg9 : memref<2x128xi32, #tpu.memory_space<vmem>>) target_semaphore(%arg18 : memref<!tpu.dma_semaphore, #tpu.memory_space<semaphore_mem>>)
      } else {
      }
      %add3A_186 = arith.constant 2 : i32
      %add3A_187 = arith.addi %add3A_170, %add3A_186 : i32
      %lt3A_188 = arith.constant 80 : i32
      %lt3A_189 = arith.cmpi slt, %add3A_187, %lt3A_188 : i32
      %convert_element_type3A_190 = arith.extui %lt3A_189 : i1 to i32
      %cond3A_191 = arith.constant 0 : i32
      %cond3A_192 = arith.cmpi ne, %convert_element_type3A_190, %cond3A_191 : i32
      scf.if %cond3A_192 {
        %add3A_193 = arith.constant 2 : i32
        %add3A_194 = arith.addi %add3A_170, %add3A_193 : i32
        %add3A_195 = arith.addi %mul3A_6, %add3A_194 : i32
        %dma_wait3A_196 = arith.constant 0 : i32
        %dma_wait3A_197 = arith.constant 0 : i32
        %dma_wait3A_198 = tpu.memref_slice %arg3[%add3A_195, %dma_wait3A_196, %dma_wait3A_197] : memref<2560x2x128xi32, #tpu.memory_space<hbm>> -> memref<1x2x128xi32, #tpu.memory_space<hbm>>
        %dma_wait3A_199 = tpu.memref_squeeze %dma_wait3A_198 : memref<1x2x128xi32, #tpu.memory_space<hbm>> -> memref<2x128xi32, #tpu.memory_space<hbm>>
        %dma_wait3A_200 = arith.constant 0 : i32
        %dma_wait3A_201 = arith.constant 0 : i32
        %dma_wait3A_202 = tpu.memref_slice %arg3[%add3A_195, %dma_wait3A_200, %dma_wait3A_201] : memref<2560x2x128xi32, #tpu.memory_space<hbm>> -> memref<1x2x128xi32, #tpu.memory_space<hbm>>
        %dma_wait3A_203 = tpu.memref_squeeze %dma_wait3A_202 : memref<1x2x128xi32, #tpu.memory_space<hbm>> -> memref<2x128xi32, #tpu.memory_space<hbm>>
        tpu.wait_dma2 semaphore(%arg16 : memref<!tpu.dma_semaphore, #tpu.memory_space<semaphore_mem>>) src(%dma_wait3A_203 : memref<2x128xi32, #tpu.memory_space<hbm>>) dst(%arg7 : memref<2x128xi32, #tpu.memory_space<vmem>>)
        %dma_start3A_204 = arith.constant 0 : i32
        %dma_start3A_205 = arith.constant 0 : i32
        %dma_start3A_206 = tpu.memref_slice %arg7[%dma_start3A_204, %dma_start3A_205] : memref<2x128xi32, #tpu.memory_space<vmem>> -> memref<1x128xi32, #tpu.memory_space<vmem>>
        %dma_start3A_207 = tpu.memref_squeeze %dma_start3A_206 : memref<1x128xi32, #tpu.memory_space<vmem>> -> memref<128xi32, #tpu.memory_space<vmem>>
        %dma_start3A_208 = arith.constant 0 : i32
        %dma_start3A_209 = arith.constant 0 : i32
        %dma_start3A_210 = tpu.memref_slice %arg2[%dma_start3A_208, %dma_start3A_209] : memref<10000x128xf32, #tpu.memory_space<hbm>> -> memref<10000x128xf32, #tpu.memory_space<hbm>>
        tpu.enqueue_indirect_dma source(%dma_start3A_210 : memref<10000x128xf32, #tpu.memory_space<hbm>>) target(%arg11 : memref<128x128xf32, #tpu.memory_space<vmem>>) offsets(%dma_start3A_207 : memref<128xi32, #tpu.memory_space<vmem>>) semaphore(%arg14 : memref<!tpu.dma_semaphore, #tpu.memory_space<semaphore_mem>>)
      } else {
      }
    }
    %scan3A_82 = arith.constant 20 : i32
    %barrier3A_83 = arith.constant 0 : index
    tpu.barrier barrier_id(%barrier3A_83)
    %mul3A_84 = arith.constant 640 : i32
    %mul3A_85 = arith.muli %arg1, %mul3A_84 : i32
    %mul3A_86 = arith.constant 640 : i32
    %mul3A_87 = arith.muli %arg1, %mul3A_86 : i32
    "tpu.region"() ({
      %run_scoped3A = tpu.sem_alloc : memref<!tpu.dma_semaphore, #tpu.memory_space<semaphore_mem>>
      %dma_start3A_88 = arith.constant 0 : i32
      %dma_start3A_89 = tpu.memref_slice %arg5[%arg0, %mul3A_87, %dma_start3A_88] : memref<2x10240x128xf32, #tpu.memory_space<hbm>> -> memref<1x640x128xf32, #tpu.memory_space<hbm>>
      %dma_start3A_90 = tpu.memref_squeeze %dma_start3A_89 : memref<1x640x128xf32, #tpu.memory_space<hbm>> -> memref<640x128xf32, #tpu.memory_space<hbm>>
      %dma_start3A_91 = arith.constant 0 : i32
      %dma_start3A_92 = tpu.memref_slice %arg12[%mul3A_85, %dma_start3A_91] : memref<10240x128xf32, #tpu.memory_space<vmem_shared>> -> memref<640x128xf32, #tpu.memory_space<vmem_shared>>
      tpu.enqueue_dma source(%dma_start3A_92 : memref<640x128xf32, #tpu.memory_space<vmem_shared>>) target(%dma_start3A_90 : memref<640x128xf32, #tpu.memory_space<hbm>>) target_semaphore(%run_scoped3A : memref<!tpu.dma_semaphore, #tpu.memory_space<semaphore_mem>>)
      %dma_wait3A_93 = arith.constant 0 : i32
      %dma_wait3A_94 = tpu.memref_slice %arg5[%arg0, %mul3A_87, %dma_wait3A_93] : memref<2x10240x128xf32, #tpu.memory_space<hbm>> -> memref<1x640x128xf32, #tpu.memory_space<hbm>>
      %dma_wait3A_95 = tpu.memref_squeeze %dma_wait3A_94 : memref<1x640x128xf32, #tpu.memory_space<hbm>> -> memref<640x128xf32, #tpu.memory_space<hbm>>
      %dma_wait3A_96 = arith.constant 0 : i32
      %dma_wait3A_97 = tpu.memref_slice %arg12[%mul3A_85, %dma_wait3A_96] : memref<10240x128xf32, #tpu.memory_space<vmem_shared>> -> memref<640x128xf32, #tpu.memory_space<vmem_shared>>
      tpu.wait_dma2 semaphore(%run_scoped3A : memref<!tpu.dma_semaphore, #tpu.memory_space<semaphore_mem>>) src(%dma_wait3A_97 : memref<640x128xf32, #tpu.memory_space<vmem_shared>>) dst(%dma_wait3A_95 : memref<640x128xf32, #tpu.memory_space<hbm>>)
      tpu.yield
    }) : () -> ()
    return
  }
}

#map = affine_map<(d0, d1) -> (0, 0)>
#map1 = affine_map<(d0, d1) -> (0, 0, 0)>
module attributes {stable_mosaic.version = 14 : i64} {
  func.func @prop_kernel(%arg0: i32, %arg1: i32, %arg2: memref<10000x128xf32, #tpu.memory_space<hbm>>, %arg3: memref<2560x2x128xi32, #tpu.memory_space<hbm>>, %arg4: memref<10240x128xf32, #tpu.memory_space<hbm>>, %arg5: memref<2x10240x128xf32, #tpu.memory_space<hbm>>, %arg6: memref<2x128xi32, #tpu.memory_space<vmem>>, %arg7: memref<2x128xi32, #tpu.memory_space<vmem>>, %arg8: memref<2x128xi32, #tpu.memory_space<vmem>>, %arg9: memref<2x128xi32, #tpu.memory_space<vmem>>, %arg10: memref<128x128xf32, #tpu.memory_space<vmem>>, %arg11: memref<128x128xf32, #tpu.memory_space<vmem>>, %arg12: memref<10240x128xf32, #tpu.memory_space<vmem_shared>>, %arg13: memref<!tpu.dma_semaphore, #tpu.memory_space<semaphore_mem>>, %arg14: memref<!tpu.dma_semaphore, #tpu.memory_space<semaphore_mem>>, %arg15: memref<!tpu.dma_semaphore, #tpu.memory_space<semaphore_mem>>, %arg16: memref<!tpu.dma_semaphore, #tpu.memory_space<semaphore_mem>>, %arg17: memref<!tpu.dma_semaphore, #tpu.memory_space<semaphore_mem>>, %arg18: memref<!tpu.dma_semaphore, #tpu.memory_space<semaphore_mem>>) attributes {dimension_semantics = [#tpu.dimension_semantics<core_parallel>, #tpu.dimension_semantics<subcore_parallel>], iteration_bounds = array<i64: 2, 16>, scalar_prefetch = 0 : i64, scratch_operands = 13 : i64, tpu.core_type = #tpu.core_type<sc_vector_subcore>, window_params = [{transform_indices = #map}, {transform_indices = #map1}, {transform_indices = #map}, {transform_indices = #map1}]} {
    %mul3A = arith.constant 16 : i32
    %mul3A_0 = arith.muli %arg0, %mul3A : i32
    %add3A = arith.addi %mul3A_0, %arg1 : i32
    %mul3A_1 = arith.constant 640 : i32
    %mul3A_2 = arith.muli %arg1, %mul3A_1 : i32
    %mul3A_3 = arith.constant 640 : i32
    %mul3A_4 = arith.muli %arg1, %mul3A_3 : i32
    "tpu.region"() ({
      %run_scoped3A = tpu.sem_alloc : memref<!tpu.dma_semaphore, #tpu.memory_space<semaphore_mem>>
      %dma_start3A_88 = arith.constant 0 : i32
      %dma_start3A_89 = tpu.memref_slice %arg12[%mul3A_4, %dma_start3A_88] : memref<10240x128xf32, #tpu.memory_space<vmem_shared>> -> memref<640x128xf32, #tpu.memory_space<vmem_shared>>
      %dma_start3A_90 = arith.constant 0 : i32
      %dma_start3A_91 = tpu.memref_slice %arg4[%mul3A_2, %dma_start3A_90] : memref<10240x128xf32, #tpu.memory_space<hbm>> -> memref<640x128xf32, #tpu.memory_space<hbm>>
      tpu.enqueue_dma source(%dma_start3A_91 : memref<640x128xf32, #tpu.memory_space<hbm>>) target(%dma_start3A_89 : memref<640x128xf32, #tpu.memory_space<vmem_shared>>) target_semaphore(%run_scoped3A : memref<!tpu.dma_semaphore, #tpu.memory_space<semaphore_mem>>)
      %dma_wait3A_92 = arith.constant 0 : i32
      %dma_wait3A_93 = tpu.memref_slice %arg12[%mul3A_4, %dma_wait3A_92] : memref<10240x128xf32, #tpu.memory_space<vmem_shared>> -> memref<640x128xf32, #tpu.memory_space<vmem_shared>>
      %dma_wait3A_94 = arith.constant 0 : i32
      %dma_wait3A_95 = tpu.memref_slice %arg4[%mul3A_2, %dma_wait3A_94] : memref<10240x128xf32, #tpu.memory_space<hbm>> -> memref<640x128xf32, #tpu.memory_space<hbm>>
      tpu.wait_dma2 semaphore(%run_scoped3A : memref<!tpu.dma_semaphore, #tpu.memory_space<semaphore_mem>>) src(%dma_wait3A_95 : memref<640x128xf32, #tpu.memory_space<hbm>>) dst(%dma_wait3A_93 : memref<640x128xf32, #tpu.memory_space<vmem_shared>>)
      tpu.yield
    }) : () -> ()
    %barrier3A = arith.constant 0 : index
    tpu.barrier barrier_id(%barrier3A)
    %mul3A_5 = arith.constant 80 : i32
    %mul3A_6 = arith.muli %add3A, %mul3A_5 : i32
    %add3A_7 = arith.constant 0 : i32
    %add3A_8 = arith.addi %mul3A_6, %add3A_7 : i32
    %dma_start3A = arith.constant 0 : i32
    %dma_start3A_9 = arith.constant 0 : i32
    %dma_start3A_10 = tpu.memref_slice %arg3[%add3A_8, %dma_start3A, %dma_start3A_9] : memref<2560x2x128xi32, #tpu.memory_space<hbm>> -> memref<1x2x128xi32, #tpu.memory_space<hbm>>
    %dma_start3A_11 = tpu.memref_squeeze %dma_start3A_10 : memref<1x2x128xi32, #tpu.memory_space<hbm>> -> memref<2x128xi32, #tpu.memory_space<hbm>>
    %dma_start3A_12 = arith.constant 0 : i32
    %dma_start3A_13 = arith.constant 0 : i32
    %dma_start3A_14 = tpu.memref_slice %arg3[%add3A_8, %dma_start3A_12, %dma_start3A_13] : memref<2560x2x128xi32, #tpu.memory_space<hbm>> -> memref<1x2x128xi32, #tpu.memory_space<hbm>>
    %dma_start3A_15 = tpu.memref_squeeze %dma_start3A_14 : memref<1x2x128xi32, #tpu.memory_space<hbm>> -> memref<2x128xi32, #tpu.memory_space<hbm>>
    tpu.enqueue_dma source(%dma_start3A_15 : memref<2x128xi32, #tpu.memory_space<hbm>>) target(%arg6 : memref<2x128xi32, #tpu.memory_space<vmem>>) target_semaphore(%arg15 : memref<!tpu.dma_semaphore, #tpu.memory_space<semaphore_mem>>)
    %add3A_16 = arith.constant 1 : i32
    %add3A_17 = arith.addi %mul3A_6, %add3A_16 : i32
    %dma_start3A_18 = arith.constant 0 : i32
    %dma_start3A_19 = arith.constant 0 : i32
    %dma_start3A_20 = tpu.memref_slice %arg3[%add3A_17, %dma_start3A_18, %dma_start3A_19] : memref<2560x2x128xi32, #tpu.memory_space<hbm>> -> memref<1x2x128xi32, #tpu.memory_space<hbm>>
    %dma_start3A_21 = tpu.memref_squeeze %dma_start3A_20 : memref<1x2x128xi32, #tpu.memory_space<hbm>> -> memref<2x128xi32, #tpu.memory_space<hbm>>
    %dma_start3A_22 = arith.constant 0 : i32
    %dma_start3A_23 = arith.constant 0 : i32
    %dma_start3A_24 = tpu.memref_slice %arg3[%add3A_17, %dma_start3A_22, %dma_start3A_23] : memref<2560x2x128xi32, #tpu.memory_space<hbm>> -> memref<1x2x128xi32, #tpu.memory_space<hbm>>
    %dma_start3A_25 = tpu.memref_squeeze %dma_start3A_24 : memref<1x2x128xi32, #tpu.memory_space<hbm>> -> memref<2x128xi32, #tpu.memory_space<hbm>>
    tpu.enqueue_dma source(%dma_start3A_25 : memref<2x128xi32, #tpu.memory_space<hbm>>) target(%arg7 : memref<2x128xi32, #tpu.memory_space<vmem>>) target_semaphore(%arg16 : memref<!tpu.dma_semaphore, #tpu.memory_space<semaphore_mem>>)
    %add3A_26 = arith.constant 2 : i32
    %add3A_27 = arith.addi %mul3A_6, %add3A_26 : i32
    %dma_start3A_28 = arith.constant 0 : i32
    %dma_start3A_29 = arith.constant 0 : i32
    %dma_start3A_30 = tpu.memref_slice %arg3[%add3A_27, %dma_start3A_28, %dma_start3A_29] : memref<2560x2x128xi32, #tpu.memory_space<hbm>> -> memref<1x2x128xi32, #tpu.memory_space<hbm>>
    %dma_start3A_31 = tpu.memref_squeeze %dma_start3A_30 : memref<1x2x128xi32, #tpu.memory_space<hbm>> -> memref<2x128xi32, #tpu.memory_space<hbm>>
    %dma_start3A_32 = arith.constant 0 : i32
    %dma_start3A_33 = arith.constant 0 : i32
    %dma_start3A_34 = tpu.memref_slice %arg3[%add3A_27, %dma_start3A_32, %dma_start3A_33] : memref<2560x2x128xi32, #tpu.memory_space<hbm>> -> memref<1x2x128xi32, #tpu.memory_space<hbm>>
    %dma_start3A_35 = tpu.memref_squeeze %dma_start3A_34 : memref<1x2x128xi32, #tpu.memory_space<hbm>> -> memref<2x128xi32, #tpu.memory_space<hbm>>
    tpu.enqueue_dma source(%dma_start3A_35 : memref<2x128xi32, #tpu.memory_space<hbm>>) target(%arg8 : memref<2x128xi32, #tpu.memory_space<vmem>>) target_semaphore(%arg17 : memref<!tpu.dma_semaphore, #tpu.memory_space<semaphore_mem>>)
    %add3A_36 = arith.constant 3 : i32
    %add3A_37 = arith.addi %mul3A_6, %add3A_36 : i32
    %dma_start3A_38 = arith.constant 0 : i32
    %dma_start3A_39 = arith.constant 0 : i32
    %dma_start3A_40 = tpu.memref_slice %arg3[%add3A_37, %dma_start3A_38, %dma_start3A_39] : memref<2560x2x128xi32, #tpu.memory_space<hbm>> -> memref<1x2x128xi32, #tpu.memory_space<hbm>>
    %dma_start3A_41 = tpu.memref_squeeze %dma_start3A_40 : memref<1x2x128xi32, #tpu.memory_space<hbm>> -> memref<2x128xi32, #tpu.memory_space<hbm>>
    %dma_start3A_42 = arith.constant 0 : i32
    %dma_start3A_43 = arith.constant 0 : i32
    %dma_start3A_44 = tpu.memref_slice %arg3[%add3A_37, %dma_start3A_42, %dma_start3A_43] : memref<2560x2x128xi32, #tpu.memory_space<hbm>> -> memref<1x2x128xi32, #tpu.memory_space<hbm>>
    %dma_start3A_45 = tpu.memref_squeeze %dma_start3A_44 : memref<1x2x128xi32, #tpu.memory_space<hbm>> -> memref<2x128xi32, #tpu.memory_space<hbm>>
    tpu.enqueue_dma source(%dma_start3A_45 : memref<2x128xi32, #tpu.memory_space<hbm>>) target(%arg9 : memref<2x128xi32, #tpu.memory_space<vmem>>) target_semaphore(%arg18 : memref<!tpu.dma_semaphore, #tpu.memory_space<semaphore_mem>>)
    %add3A_46 = arith.constant 0 : i32
    %add3A_47 = arith.addi %mul3A_6, %add3A_46 : i32
    %dma_wait3A = arith.constant 0 : i32
    %dma_wait3A_48 = arith.constant 0 : i32
    %dma_wait3A_49 = tpu.memref_slice %arg3[%add3A_47, %dma_wait3A, %dma_wait3A_48] : memref<2560x2x128xi32, #tpu.memory_space<hbm>> -> memref<1x2x128xi32, #tpu.memory_space<hbm>>
    %dma_wait3A_50 = tpu.memref_squeeze %dma_wait3A_49 : memref<1x2x128xi32, #tpu.memory_space<hbm>> -> memref<2x128xi32, #tpu.memory_space<hbm>>
    %dma_wait3A_51 = arith.constant 0 : i32
    %dma_wait3A_52 = arith.constant 0 : i32
    %dma_wait3A_53 = tpu.memref_slice %arg3[%add3A_47, %dma_wait3A_51, %dma_wait3A_52] : memref<2560x2x128xi32, #tpu.memory_space<hbm>> -> memref<1x2x128xi32, #tpu.memory_space<hbm>>
    %dma_wait3A_54 = tpu.memref_squeeze %dma_wait3A_53 : memref<1x2x128xi32, #tpu.memory_space<hbm>> -> memref<2x128xi32, #tpu.memory_space<hbm>>
    tpu.wait_dma2 semaphore(%arg15 : memref<!tpu.dma_semaphore, #tpu.memory_space<semaphore_mem>>) src(%dma_wait3A_54 : memref<2x128xi32, #tpu.memory_space<hbm>>) dst(%arg6 : memref<2x128xi32, #tpu.memory_space<vmem>>)
    %dma_start3A_55 = arith.constant 0 : i32
    %dma_start3A_56 = arith.constant 0 : i32
    %dma_start3A_57 = tpu.memref_slice %arg6[%dma_start3A_55, %dma_start3A_56] : memref<2x128xi32, #tpu.memory_space<vmem>> -> memref<1x128xi32, #tpu.memory_space<vmem>>
    %dma_start3A_58 = tpu.memref_squeeze %dma_start3A_57 : memref<1x128xi32, #tpu.memory_space<vmem>> -> memref<128xi32, #tpu.memory_space<vmem>>
    %dma_start3A_59 = arith.constant 0 : i32
    %dma_start3A_60 = arith.constant 0 : i32
    %dma_start3A_61 = tpu.memref_slice %arg2[%dma_start3A_59, %dma_start3A_60] : memref<10000x128xf32, #tpu.memory_space<hbm>> -> memref<10000x128xf32, #tpu.memory_space<hbm>>
    tpu.enqueue_indirect_dma source(%dma_start3A_61 : memref<10000x128xf32, #tpu.memory_space<hbm>>) target(%arg10 : memref<128x128xf32, #tpu.memory_space<vmem>>) offsets(%dma_start3A_58 : memref<128xi32, #tpu.memory_space<vmem>>) semaphore(%arg13 : memref<!tpu.dma_semaphore, #tpu.memory_space<semaphore_mem>>)
    %add3A_62 = arith.constant 1 : i32
    %add3A_63 = arith.addi %mul3A_6, %add3A_62 : i32
    %dma_wait3A_64 = arith.constant 0 : i32
    %dma_wait3A_65 = arith.constant 0 : i32
    %dma_wait3A_66 = tpu.memref_slice %arg3[%add3A_63, %dma_wait3A_64, %dma_wait3A_65] : memref<2560x2x128xi32, #tpu.memory_space<hbm>> -> memref<1x2x128xi32, #tpu.memory_space<hbm>>
    %dma_wait3A_67 = tpu.memref_squeeze %dma_wait3A_66 : memref<1x2x128xi32, #tpu.memory_space<hbm>> -> memref<2x128xi32, #tpu.memory_space<hbm>>
    %dma_wait3A_68 = arith.constant 0 : i32
    %dma_wait3A_69 = arith.constant 0 : i32
    %dma_wait3A_70 = tpu.memref_slice %arg3[%add3A_63, %dma_wait3A_68, %dma_wait3A_69] : memref<2560x2x128xi32, #tpu.memory_space<hbm>> -> memref<1x2x128xi32, #tpu.memory_space<hbm>>
    %dma_wait3A_71 = tpu.memref_squeeze %dma_wait3A_70 : memref<1x2x128xi32, #tpu.memory_space<hbm>> -> memref<2x128xi32, #tpu.memory_space<hbm>>
    tpu.wait_dma2 semaphore(%arg16 : memref<!tpu.dma_semaphore, #tpu.memory_space<semaphore_mem>>) src(%dma_wait3A_71 : memref<2x128xi32, #tpu.memory_space<hbm>>) dst(%arg7 : memref<2x128xi32, #tpu.memory_space<vmem>>)
    %dma_start3A_72 = arith.constant 0 : i32
    %dma_start3A_73 = arith.constant 0 : i32
    %dma_start3A_74 = tpu.memref_slice %arg7[%dma_start3A_72, %dma_start3A_73] : memref<2x128xi32, #tpu.memory_space<vmem>> -> memref<1x128xi32, #tpu.memory_space<vmem>>
    %dma_start3A_75 = tpu.memref_squeeze %dma_start3A_74 : memref<1x128xi32, #tpu.memory_space<vmem>> -> memref<128xi32, #tpu.memory_space<vmem>>
    %dma_start3A_76 = arith.constant 0 : i32
    %dma_start3A_77 = arith.constant 0 : i32
    %dma_start3A_78 = tpu.memref_slice %arg2[%dma_start3A_76, %dma_start3A_77] : memref<10000x128xf32, #tpu.memory_space<hbm>> -> memref<10000x128xf32, #tpu.memory_space<hbm>>
    tpu.enqueue_indirect_dma source(%dma_start3A_78 : memref<10000x128xf32, #tpu.memory_space<hbm>>) target(%arg11 : memref<128x128xf32, #tpu.memory_space<vmem>>) offsets(%dma_start3A_75 : memref<128xi32, #tpu.memory_space<vmem>>) semaphore(%arg14 : memref<!tpu.dma_semaphore, #tpu.memory_space<semaphore_mem>>)
    %scan3A = arith.constant 0 : i32
    %scan3A_79 = arith.constant 20 : i32
    %scan3A_80 = arith.addi %scan3A, %scan3A_79 : i32
    %scan3A_81 = arith.constant 1 : i32
    scf.for %scan3A_88 = %scan3A to %scan3A_80 step %scan3A_81  : i32 {
      %mul3A_89 = arith.constant 1 : i32
      %mul3A_90 = arith.muli %scan3A_88, %mul3A_89 : i32
      %add3A_91 = arith.constant 0 : i32
      %add3A_92 = arith.addi %add3A_91, %mul3A_90 : i32
      %mul3A_93 = arith.constant 4 : i32
      %mul3A_94 = arith.muli %mul3A_93, %add3A_92 : i32
      %add3A_95 = arith.constant 0 : i32
      %add3A_96 = arith.addi %mul3A_94, %add3A_95 : i32
      %dma_wait3A_97 = arith.constant 0 : i32
      %dma_wait3A_98 = arith.constant 0 : i32
      %dma_wait3A_99 = tpu.memref_slice %arg6[%dma_wait3A_97, %dma_wait3A_98] : memref<2x128xi32, #tpu.memory_space<vmem>> -> memref<1x128xi32, #tpu.memory_space<vmem>>
      %dma_wait3A_100 = tpu.memref_squeeze %dma_wait3A_99 : memref<1x128xi32, #tpu.memory_space<vmem>> -> memref<128xi32, #tpu.memory_space<vmem>>
      %dma_wait3A_101 = arith.constant 0 : i32
      %dma_wait3A_102 = arith.constant 0 : i32
      %dma_wait3A_103 = tpu.memref_slice %arg2[%dma_wait3A_101, %dma_wait3A_102] : memref<10000x128xf32, #tpu.memory_space<hbm>> -> memref<10000x128xf32, #tpu.memory_space<hbm>>
      tpu.wait_indirect_dma semaphore(%arg13 : memref<!tpu.dma_semaphore, #tpu.memory_space<semaphore_mem>>) src(%dma_wait3A_103 : memref<10000x128xf32, #tpu.memory_space<hbm>>) dst(%arg10 : memref<128x128xf32, #tpu.memory_space<vmem>>)
      %run_scoped3A = arith.constant 1 : i32
      "tpu.region"() ({
        %run_scoped3A_193 = tpu.sem_alloc : memref<!tpu.dma_semaphore, #tpu.memory_space<semaphore_mem>>
        %dma_start3A_194 = arith.constant 0 : i32
        %dma_start3A_195 = tpu.memref_slice %arg6[%run_scoped3A, %dma_start3A_194] : memref<2x128xi32, #tpu.memory_space<vmem>> -> memref<1x128xi32, #tpu.memory_space<vmem>>
        %dma_start3A_196 = tpu.memref_squeeze %dma_start3A_195 : memref<1x128xi32, #tpu.memory_space<vmem>> -> memref<128xi32, #tpu.memory_space<vmem>>
        %dma_start3A_197 = arith.constant 0 : i32
        %dma_start3A_198 = arith.constant 0 : i32
        %dma_start3A_199 = tpu.memref_slice %arg12[%dma_start3A_197, %dma_start3A_198] : memref<10240x128xf32, #tpu.memory_space<vmem_shared>> -> memref<10240x128xf32, #tpu.memory_space<vmem_shared>>
        tpu.enqueue_indirect_dma source(%arg10 : memref<128x128xf32, #tpu.memory_space<vmem>>) target(%dma_start3A_199 : memref<10240x128xf32, #tpu.memory_space<vmem_shared>>) offsets(%dma_start3A_196 : memref<128xi32, #tpu.memory_space<vmem>>) semaphore(%run_scoped3A_193 : memref<!tpu.dma_semaphore, #tpu.memory_space<semaphore_mem>>) {add = true}
        %dma_wait3A_200 = arith.constant 0 : i32
        %dma_wait3A_201 = tpu.memref_slice %arg6[%run_scoped3A, %dma_wait3A_200] : memref<2x128xi32, #tpu.memory_space<vmem>> -> memref<1x128xi32, #tpu.memory_space<vmem>>
        %dma_wait3A_202 = tpu.memref_squeeze %dma_wait3A_201 : memref<1x128xi32, #tpu.memory_space<vmem>> -> memref<128xi32, #tpu.memory_space<vmem>>
        %dma_wait3A_203 = arith.constant 0 : i32
        %dma_wait3A_204 = arith.constant 0 : i32
        %dma_wait3A_205 = tpu.memref_slice %arg12[%dma_wait3A_203, %dma_wait3A_204] : memref<10240x128xf32, #tpu.memory_space<vmem_shared>> -> memref<10240x128xf32, #tpu.memory_space<vmem_shared>>
        tpu.wait_indirect_dma semaphore(%run_scoped3A_193 : memref<!tpu.dma_semaphore, #tpu.memory_space<semaphore_mem>>) src(%arg10 : memref<128x128xf32, #tpu.memory_space<vmem>>) dst(%dma_wait3A_205 : memref<10240x128xf32, #tpu.memory_space<vmem_shared>>)
        tpu.yield
      }) : () -> ()
      %add3A_104 = arith.constant 4 : i32
      %add3A_105 = arith.addi %add3A_96, %add3A_104 : i32
      %lt3A = arith.constant 80 : i32
      %lt3A_106 = arith.cmpi slt, %add3A_105, %lt3A : i32
      %convert_element_type3A = arith.extui %lt3A_106 : i1 to i32
      %cond3A = arith.constant 0 : i32
      %cond3A_107 = arith.cmpi ne, %convert_element_type3A, %cond3A : i32
      scf.if %cond3A_107 {
        %add3A_193 = arith.constant 4 : i32
        %add3A_194 = arith.addi %add3A_96, %add3A_193 : i32
        %add3A_195 = arith.addi %mul3A_6, %add3A_194 : i32
        %dma_start3A_196 = arith.constant 0 : i32
        %dma_start3A_197 = arith.constant 0 : i32
        %dma_start3A_198 = tpu.memref_slice %arg3[%add3A_195, %dma_start3A_196, %dma_start3A_197] : memref<2560x2x128xi32, #tpu.memory_space<hbm>> -> memref<1x2x128xi32, #tpu.memory_space<hbm>>
        %dma_start3A_199 = tpu.memref_squeeze %dma_start3A_198 : memref<1x2x128xi32, #tpu.memory_space<hbm>> -> memref<2x128xi32, #tpu.memory_space<hbm>>
        %dma_start3A_200 = arith.constant 0 : i32
        %dma_start3A_201 = arith.constant 0 : i32
        %dma_start3A_202 = tpu.memref_slice %arg3[%add3A_195, %dma_start3A_200, %dma_start3A_201] : memref<2560x2x128xi32, #tpu.memory_space<hbm>> -> memref<1x2x128xi32, #tpu.memory_space<hbm>>
        %dma_start3A_203 = tpu.memref_squeeze %dma_start3A_202 : memref<1x2x128xi32, #tpu.memory_space<hbm>> -> memref<2x128xi32, #tpu.memory_space<hbm>>
        tpu.enqueue_dma source(%dma_start3A_203 : memref<2x128xi32, #tpu.memory_space<hbm>>) target(%arg6 : memref<2x128xi32, #tpu.memory_space<vmem>>) target_semaphore(%arg15 : memref<!tpu.dma_semaphore, #tpu.memory_space<semaphore_mem>>)
      } else {
      }
      %add3A_108 = arith.constant 2 : i32
      %add3A_109 = arith.addi %add3A_96, %add3A_108 : i32
      %lt3A_110 = arith.constant 80 : i32
      %lt3A_111 = arith.cmpi slt, %add3A_109, %lt3A_110 : i32
      %convert_element_type3A_112 = arith.extui %lt3A_111 : i1 to i32
      %cond3A_113 = arith.constant 0 : i32
      %cond3A_114 = arith.cmpi ne, %convert_element_type3A_112, %cond3A_113 : i32
      scf.if %cond3A_114 {
        %add3A_193 = arith.constant 2 : i32
        %add3A_194 = arith.addi %add3A_96, %add3A_193 : i32
        %add3A_195 = arith.addi %mul3A_6, %add3A_194 : i32
        %dma_wait3A_196 = arith.constant 0 : i32
        %dma_wait3A_197 = arith.constant 0 : i32
        %dma_wait3A_198 = tpu.memref_slice %arg3[%add3A_195, %dma_wait3A_196, %dma_wait3A_197] : memref<2560x2x128xi32, #tpu.memory_space<hbm>> -> memref<1x2x128xi32, #tpu.memory_space<hbm>>
        %dma_wait3A_199 = tpu.memref_squeeze %dma_wait3A_198 : memref<1x2x128xi32, #tpu.memory_space<hbm>> -> memref<2x128xi32, #tpu.memory_space<hbm>>
        %dma_wait3A_200 = arith.constant 0 : i32
        %dma_wait3A_201 = arith.constant 0 : i32
        %dma_wait3A_202 = tpu.memref_slice %arg3[%add3A_195, %dma_wait3A_200, %dma_wait3A_201] : memref<2560x2x128xi32, #tpu.memory_space<hbm>> -> memref<1x2x128xi32, #tpu.memory_space<hbm>>
        %dma_wait3A_203 = tpu.memref_squeeze %dma_wait3A_202 : memref<1x2x128xi32, #tpu.memory_space<hbm>> -> memref<2x128xi32, #tpu.memory_space<hbm>>
        tpu.wait_dma2 semaphore(%arg17 : memref<!tpu.dma_semaphore, #tpu.memory_space<semaphore_mem>>) src(%dma_wait3A_203 : memref<2x128xi32, #tpu.memory_space<hbm>>) dst(%arg8 : memref<2x128xi32, #tpu.memory_space<vmem>>)
        %dma_start3A_204 = arith.constant 0 : i32
        %dma_start3A_205 = arith.constant 0 : i32
        %dma_start3A_206 = tpu.memref_slice %arg8[%dma_start3A_204, %dma_start3A_205] : memref<2x128xi32, #tpu.memory_space<vmem>> -> memref<1x128xi32, #tpu.memory_space<vmem>>
        %dma_start3A_207 = tpu.memref_squeeze %dma_start3A_206 : memref<1x128xi32, #tpu.memory_space<vmem>> -> memref<128xi32, #tpu.memory_space<vmem>>
        %dma_start3A_208 = arith.constant 0 : i32
        %dma_start3A_209 = arith.constant 0 : i32
        %dma_start3A_210 = tpu.memref_slice %arg2[%dma_start3A_208, %dma_start3A_209] : memref<10000x128xf32, #tpu.memory_space<hbm>> -> memref<10000x128xf32, #tpu.memory_space<hbm>>
        tpu.enqueue_indirect_dma source(%dma_start3A_210 : memref<10000x128xf32, #tpu.memory_space<hbm>>) target(%arg10 : memref<128x128xf32, #tpu.memory_space<vmem>>) offsets(%dma_start3A_207 : memref<128xi32, #tpu.memory_space<vmem>>) semaphore(%arg13 : memref<!tpu.dma_semaphore, #tpu.memory_space<semaphore_mem>>)
      } else {
      }
      %mul3A_115 = arith.constant 4 : i32
      %mul3A_116 = arith.muli %mul3A_115, %add3A_92 : i32
      %add3A_117 = arith.constant 1 : i32
      %add3A_118 = arith.addi %mul3A_116, %add3A_117 : i32
      %dma_wait3A_119 = arith.constant 0 : i32
      %dma_wait3A_120 = arith.constant 0 : i32
      %dma_wait3A_121 = tpu.memref_slice %arg7[%dma_wait3A_119, %dma_wait3A_120] : memref<2x128xi32, #tpu.memory_space<vmem>> -> memref<1x128xi32, #tpu.memory_space<vmem>>
      %dma_wait3A_122 = tpu.memref_squeeze %dma_wait3A_121 : memref<1x128xi32, #tpu.memory_space<vmem>> -> memref<128xi32, #tpu.memory_space<vmem>>
      %dma_wait3A_123 = arith.constant 0 : i32
      %dma_wait3A_124 = arith.constant 0 : i32
      %dma_wait3A_125 = tpu.memref_slice %arg2[%dma_wait3A_123, %dma_wait3A_124] : memref<10000x128xf32, #tpu.memory_space<hbm>> -> memref<10000x128xf32, #tpu.memory_space<hbm>>
      tpu.wait_indirect_dma semaphore(%arg14 : memref<!tpu.dma_semaphore, #tpu.memory_space<semaphore_mem>>) src(%dma_wait3A_125 : memref<10000x128xf32, #tpu.memory_space<hbm>>) dst(%arg11 : memref<128x128xf32, #tpu.memory_space<vmem>>)
      %run_scoped3A_126 = arith.constant 1 : i32
      "tpu.region"() ({
        %run_scoped3A_193 = tpu.sem_alloc : memref<!tpu.dma_semaphore, #tpu.memory_space<semaphore_mem>>
        %dma_start3A_194 = arith.constant 0 : i32
        %dma_start3A_195 = tpu.memref_slice %arg7[%run_scoped3A_126, %dma_start3A_194] : memref<2x128xi32, #tpu.memory_space<vmem>> -> memref<1x128xi32, #tpu.memory_space<vmem>>
        %dma_start3A_196 = tpu.memref_squeeze %dma_start3A_195 : memref<1x128xi32, #tpu.memory_space<vmem>> -> memref<128xi32, #tpu.memory_space<vmem>>
        %dma_start3A_197 = arith.constant 0 : i32
        %dma_start3A_198 = arith.constant 0 : i32
        %dma_start3A_199 = tpu.memref_slice %arg12[%dma_start3A_197, %dma_start3A_198] : memref<10240x128xf32, #tpu.memory_space<vmem_shared>> -> memref<10240x128xf32, #tpu.memory_space<vmem_shared>>
        tpu.enqueue_indirect_dma source(%arg11 : memref<128x128xf32, #tpu.memory_space<vmem>>) target(%dma_start3A_199 : memref<10240x128xf32, #tpu.memory_space<vmem_shared>>) offsets(%dma_start3A_196 : memref<128xi32, #tpu.memory_space<vmem>>) semaphore(%run_scoped3A_193 : memref<!tpu.dma_semaphore, #tpu.memory_space<semaphore_mem>>) {add = true}
        %dma_wait3A_200 = arith.constant 0 : i32
        %dma_wait3A_201 = tpu.memref_slice %arg7[%run_scoped3A_126, %dma_wait3A_200] : memref<2x128xi32, #tpu.memory_space<vmem>> -> memref<1x128xi32, #tpu.memory_space<vmem>>
        %dma_wait3A_202 = tpu.memref_squeeze %dma_wait3A_201 : memref<1x128xi32, #tpu.memory_space<vmem>> -> memref<128xi32, #tpu.memory_space<vmem>>
        %dma_wait3A_203 = arith.constant 0 : i32
        %dma_wait3A_204 = arith.constant 0 : i32
        %dma_wait3A_205 = tpu.memref_slice %arg12[%dma_wait3A_203, %dma_wait3A_204] : memref<10240x128xf32, #tpu.memory_space<vmem_shared>> -> memref<10240x128xf32, #tpu.memory_space<vmem_shared>>
        tpu.wait_indirect_dma semaphore(%run_scoped3A_193 : memref<!tpu.dma_semaphore, #tpu.memory_space<semaphore_mem>>) src(%arg11 : memref<128x128xf32, #tpu.memory_space<vmem>>) dst(%dma_wait3A_205 : memref<10240x128xf32, #tpu.memory_space<vmem_shared>>)
        tpu.yield
      }) : () -> ()
      %add3A_127 = arith.constant 4 : i32
      %add3A_128 = arith.addi %add3A_118, %add3A_127 : i32
      %lt3A_129 = arith.constant 80 : i32
      %lt3A_130 = arith.cmpi slt, %add3A_128, %lt3A_129 : i32
      %convert_element_type3A_131 = arith.extui %lt3A_130 : i1 to i32
      %cond3A_132 = arith.constant 0 : i32
      %cond3A_133 = arith.cmpi ne, %convert_element_type3A_131, %cond3A_132 : i32
      scf.if %cond3A_133 {
        %add3A_193 = arith.constant 4 : i32
        %add3A_194 = arith.addi %add3A_118, %add3A_193 : i32
        %add3A_195 = arith.addi %mul3A_6, %add3A_194 : i32
        %dma_start3A_196 = arith.constant 0 : i32
        %dma_start3A_197 = arith.constant 0 : i32
        %dma_start3A_198 = tpu.memref_slice %arg3[%add3A_195, %dma_start3A_196, %dma_start3A_197] : memref<2560x2x128xi32, #tpu.memory_space<hbm>> -> memref<1x2x128xi32, #tpu.memory_space<hbm>>
        %dma_start3A_199 = tpu.memref_squeeze %dma_start3A_198 : memref<1x2x128xi32, #tpu.memory_space<hbm>> -> memref<2x128xi32, #tpu.memory_space<hbm>>
        %dma_start3A_200 = arith.constant 0 : i32
        %dma_start3A_201 = arith.constant 0 : i32
        %dma_start3A_202 = tpu.memref_slice %arg3[%add3A_195, %dma_start3A_200, %dma_start3A_201] : memref<2560x2x128xi32, #tpu.memory_space<hbm>> -> memref<1x2x128xi32, #tpu.memory_space<hbm>>
        %dma_start3A_203 = tpu.memref_squeeze %dma_start3A_202 : memref<1x2x128xi32, #tpu.memory_space<hbm>> -> memref<2x128xi32, #tpu.memory_space<hbm>>
        tpu.enqueue_dma source(%dma_start3A_203 : memref<2x128xi32, #tpu.memory_space<hbm>>) target(%arg7 : memref<2x128xi32, #tpu.memory_space<vmem>>) target_semaphore(%arg16 : memref<!tpu.dma_semaphore, #tpu.memory_space<semaphore_mem>>)
      } else {
      }
      %add3A_134 = arith.constant 2 : i32
      %add3A_135 = arith.addi %add3A_118, %add3A_134 : i32
      %lt3A_136 = arith.constant 80 : i32
      %lt3A_137 = arith.cmpi slt, %add3A_135, %lt3A_136 : i32
      %convert_element_type3A_138 = arith.extui %lt3A_137 : i1 to i32
      %cond3A_139 = arith.constant 0 : i32
      %cond3A_140 = arith.cmpi ne, %convert_element_type3A_138, %cond3A_139 : i32
      scf.if %cond3A_140 {
        %add3A_193 = arith.constant 2 : i32
        %add3A_194 = arith.addi %add3A_118, %add3A_193 : i32
        %add3A_195 = arith.addi %mul3A_6, %add3A_194 : i32
        %dma_wait3A_196 = arith.constant 0 : i32
        %dma_wait3A_197 = arith.constant 0 : i32
        %dma_wait3A_198 = tpu.memref_slice %arg3[%add3A_195, %dma_wait3A_196, %dma_wait3A_197] : memref<2560x2x128xi32, #tpu.memory_space<hbm>> -> memref<1x2x128xi32, #tpu.memory_space<hbm>>
        %dma_wait3A_199 = tpu.memref_squeeze %dma_wait3A_198 : memref<1x2x128xi32, #tpu.memory_space<hbm>> -> memref<2x128xi32, #tpu.memory_space<hbm>>
        %dma_wait3A_200 = arith.constant 0 : i32
        %dma_wait3A_201 = arith.constant 0 : i32
        %dma_wait3A_202 = tpu.memref_slice %arg3[%add3A_195, %dma_wait3A_200, %dma_wait3A_201] : memref<2560x2x128xi32, #tpu.memory_space<hbm>> -> memref<1x2x128xi32, #tpu.memory_space<hbm>>
        %dma_wait3A_203 = tpu.memref_squeeze %dma_wait3A_202 : memref<1x2x128xi32, #tpu.memory_space<hbm>> -> memref<2x128xi32, #tpu.memory_space<hbm>>
        tpu.wait_dma2 semaphore(%arg18 : memref<!tpu.dma_semaphore, #tpu.memory_space<semaphore_mem>>) src(%dma_wait3A_203 : memref<2x128xi32, #tpu.memory_space<hbm>>) dst(%arg9 : memref<2x128xi32, #tpu.memory_space<vmem>>)
        %dma_start3A_204 = arith.constant 0 : i32
        %dma_start3A_205 = arith.constant 0 : i32
        %dma_start3A_206 = tpu.memref_slice %arg9[%dma_start3A_204, %dma_start3A_205] : memref<2x128xi32, #tpu.memory_space<vmem>> -> memref<1x128xi32, #tpu.memory_space<vmem>>
        %dma_start3A_207 = tpu.memref_squeeze %dma_start3A_206 : memref<1x128xi32, #tpu.memory_space<vmem>> -> memref<128xi32, #tpu.memory_space<vmem>>
        %dma_start3A_208 = arith.constant 0 : i32
        %dma_start3A_209 = arith.constant 0 : i32
        %dma_start3A_210 = tpu.memref_slice %arg2[%dma_start3A_208, %dma_start3A_209] : memref<10000x128xf32, #tpu.memory_space<hbm>> -> memref<10000x128xf32, #tpu.memory_space<hbm>>
        tpu.enqueue_indirect_dma source(%dma_start3A_210 : memref<10000x128xf32, #tpu.memory_space<hbm>>) target(%arg11 : memref<128x128xf32, #tpu.memory_space<vmem>>) offsets(%dma_start3A_207 : memref<128xi32, #tpu.memory_space<vmem>>) semaphore(%arg14 : memref<!tpu.dma_semaphore, #tpu.memory_space<semaphore_mem>>)
      } else {
      }
      %mul3A_141 = arith.constant 4 : i32
      %mul3A_142 = arith.muli %mul3A_141, %add3A_92 : i32
      %add3A_143 = arith.constant 2 : i32
      %add3A_144 = arith.addi %mul3A_142, %add3A_143 : i32
      %dma_wait3A_145 = arith.constant 0 : i32
      %dma_wait3A_146 = arith.constant 0 : i32
      %dma_wait3A_147 = tpu.memref_slice %arg8[%dma_wait3A_145, %dma_wait3A_146] : memref<2x128xi32, #tpu.memory_space<vmem>> -> memref<1x128xi32, #tpu.memory_space<vmem>>
      %dma_wait3A_148 = tpu.memref_squeeze %dma_wait3A_147 : memref<1x128xi32, #tpu.memory_space<vmem>> -> memref<128xi32, #tpu.memory_space<vmem>>
      %dma_wait3A_149 = arith.constant 0 : i32
      %dma_wait3A_150 = arith.constant 0 : i32
      %dma_wait3A_151 = tpu.memref_slice %arg2[%dma_wait3A_149, %dma_wait3A_150] : memref<10000x128xf32, #tpu.memory_space<hbm>> -> memref<10000x128xf32, #tpu.memory_space<hbm>>
      tpu.wait_indirect_dma semaphore(%arg13 : memref<!tpu.dma_semaphore, #tpu.memory_space<semaphore_mem>>) src(%dma_wait3A_151 : memref<10000x128xf32, #tpu.memory_space<hbm>>) dst(%arg10 : memref<128x128xf32, #tpu.memory_space<vmem>>)
      %run_scoped3A_152 = arith.constant 1 : i32
      "tpu.region"() ({
        %run_scoped3A_193 = tpu.sem_alloc : memref<!tpu.dma_semaphore, #tpu.memory_space<semaphore_mem>>
        %dma_start3A_194 = arith.constant 0 : i32
        %dma_start3A_195 = tpu.memref_slice %arg8[%run_scoped3A_152, %dma_start3A_194] : memref<2x128xi32, #tpu.memory_space<vmem>> -> memref<1x128xi32, #tpu.memory_space<vmem>>
        %dma_start3A_196 = tpu.memref_squeeze %dma_start3A_195 : memref<1x128xi32, #tpu.memory_space<vmem>> -> memref<128xi32, #tpu.memory_space<vmem>>
        %dma_start3A_197 = arith.constant 0 : i32
        %dma_start3A_198 = arith.constant 0 : i32
        %dma_start3A_199 = tpu.memref_slice %arg12[%dma_start3A_197, %dma_start3A_198] : memref<10240x128xf32, #tpu.memory_space<vmem_shared>> -> memref<10240x128xf32, #tpu.memory_space<vmem_shared>>
        tpu.enqueue_indirect_dma source(%arg10 : memref<128x128xf32, #tpu.memory_space<vmem>>) target(%dma_start3A_199 : memref<10240x128xf32, #tpu.memory_space<vmem_shared>>) offsets(%dma_start3A_196 : memref<128xi32, #tpu.memory_space<vmem>>) semaphore(%run_scoped3A_193 : memref<!tpu.dma_semaphore, #tpu.memory_space<semaphore_mem>>) {add = true}
        %dma_wait3A_200 = arith.constant 0 : i32
        %dma_wait3A_201 = tpu.memref_slice %arg8[%run_scoped3A_152, %dma_wait3A_200] : memref<2x128xi32, #tpu.memory_space<vmem>> -> memref<1x128xi32, #tpu.memory_space<vmem>>
        %dma_wait3A_202 = tpu.memref_squeeze %dma_wait3A_201 : memref<1x128xi32, #tpu.memory_space<vmem>> -> memref<128xi32, #tpu.memory_space<vmem>>
        %dma_wait3A_203 = arith.constant 0 : i32
        %dma_wait3A_204 = arith.constant 0 : i32
        %dma_wait3A_205 = tpu.memref_slice %arg12[%dma_wait3A_203, %dma_wait3A_204] : memref<10240x128xf32, #tpu.memory_space<vmem_shared>> -> memref<10240x128xf32, #tpu.memory_space<vmem_shared>>
        tpu.wait_indirect_dma semaphore(%run_scoped3A_193 : memref<!tpu.dma_semaphore, #tpu.memory_space<semaphore_mem>>) src(%arg10 : memref<128x128xf32, #tpu.memory_space<vmem>>) dst(%dma_wait3A_205 : memref<10240x128xf32, #tpu.memory_space<vmem_shared>>)
        tpu.yield
      }) : () -> ()
      %add3A_153 = arith.constant 4 : i32
      %add3A_154 = arith.addi %add3A_144, %add3A_153 : i32
      %lt3A_155 = arith.constant 80 : i32
      %lt3A_156 = arith.cmpi slt, %add3A_154, %lt3A_155 : i32
      %convert_element_type3A_157 = arith.extui %lt3A_156 : i1 to i32
      %cond3A_158 = arith.constant 0 : i32
      %cond3A_159 = arith.cmpi ne, %convert_element_type3A_157, %cond3A_158 : i32
      scf.if %cond3A_159 {
        %add3A_193 = arith.constant 4 : i32
        %add3A_194 = arith.addi %add3A_144, %add3A_193 : i32
        %add3A_195 = arith.addi %mul3A_6, %add3A_194 : i32
        %dma_start3A_196 = arith.constant 0 : i32
        %dma_start3A_197 = arith.constant 0 : i32
        %dma_start3A_198 = tpu.memref_slice %arg3[%add3A_195, %dma_start3A_196, %dma_start3A_197] : memref<2560x2x128xi32, #tpu.memory_space<hbm>> -> memref<1x2x128xi32, #tpu.memory_space<hbm>>
        %dma_start3A_199 = tpu.memref_squeeze %dma_start3A_198 : memref<1x2x128xi32, #tpu.memory_space<hbm>> -> memref<2x128xi32, #tpu.memory_space<hbm>>
        %dma_start3A_200 = arith.constant 0 : i32
        %dma_start3A_201 = arith.constant 0 : i32
        %dma_start3A_202 = tpu.memref_slice %arg3[%add3A_195, %dma_start3A_200, %dma_start3A_201] : memref<2560x2x128xi32, #tpu.memory_space<hbm>> -> memref<1x2x128xi32, #tpu.memory_space<hbm>>
        %dma_start3A_203 = tpu.memref_squeeze %dma_start3A_202 : memref<1x2x128xi32, #tpu.memory_space<hbm>> -> memref<2x128xi32, #tpu.memory_space<hbm>>
        tpu.enqueue_dma source(%dma_start3A_203 : memref<2x128xi32, #tpu.memory_space<hbm>>) target(%arg8 : memref<2x128xi32, #tpu.memory_space<vmem>>) target_semaphore(%arg17 : memref<!tpu.dma_semaphore, #tpu.memory_space<semaphore_mem>>)
      } else {
      }
      %add3A_160 = arith.constant 2 : i32
      %add3A_161 = arith.addi %add3A_144, %add3A_160 : i32
      %lt3A_162 = arith.constant 80 : i32
      %lt3A_163 = arith.cmpi slt, %add3A_161, %lt3A_162 : i32
      %convert_element_type3A_164 = arith.extui %lt3A_163 : i1 to i32
      %cond3A_165 = arith.constant 0 : i32
      %cond3A_166 = arith.cmpi ne, %convert_element_type3A_164, %cond3A_165 : i32
      scf.if %cond3A_166 {
        %add3A_193 = arith.constant 2 : i32
        %add3A_194 = arith.addi %add3A_144, %add3A_193 : i32
        %add3A_195 = arith.addi %mul3A_6, %add3A_194 : i32
        %dma_wait3A_196 = arith.constant 0 : i32
        %dma_wait3A_197 = arith.constant 0 : i32
        %dma_wait3A_198 = tpu.memref_slice %arg3[%add3A_195, %dma_wait3A_196, %dma_wait3A_197] : memref<2560x2x128xi32, #tpu.memory_space<hbm>> -> memref<1x2x128xi32, #tpu.memory_space<hbm>>
        %dma_wait3A_199 = tpu.memref_squeeze %dma_wait3A_198 : memref<1x2x128xi32, #tpu.memory_space<hbm>> -> memref<2x128xi32, #tpu.memory_space<hbm>>
        %dma_wait3A_200 = arith.constant 0 : i32
        %dma_wait3A_201 = arith.constant 0 : i32
        %dma_wait3A_202 = tpu.memref_slice %arg3[%add3A_195, %dma_wait3A_200, %dma_wait3A_201] : memref<2560x2x128xi32, #tpu.memory_space<hbm>> -> memref<1x2x128xi32, #tpu.memory_space<hbm>>
        %dma_wait3A_203 = tpu.memref_squeeze %dma_wait3A_202 : memref<1x2x128xi32, #tpu.memory_space<hbm>> -> memref<2x128xi32, #tpu.memory_space<hbm>>
        tpu.wait_dma2 semaphore(%arg15 : memref<!tpu.dma_semaphore, #tpu.memory_space<semaphore_mem>>) src(%dma_wait3A_203 : memref<2x128xi32, #tpu.memory_space<hbm>>) dst(%arg6 : memref<2x128xi32, #tpu.memory_space<vmem>>)
        %dma_start3A_204 = arith.constant 0 : i32
        %dma_start3A_205 = arith.constant 0 : i32
        %dma_start3A_206 = tpu.memref_slice %arg6[%dma_start3A_204, %dma_start3A_205] : memref<2x128xi32, #tpu.memory_space<vmem>> -> memref<1x128xi32, #tpu.memory_space<vmem>>
        %dma_start3A_207 = tpu.memref_squeeze %dma_start3A_206 : memref<1x128xi32, #tpu.memory_space<vmem>> -> memref<128xi32, #tpu.memory_space<vmem>>
        %dma_start3A_208 = arith.constant 0 : i32
        %dma_start3A_209 = arith.constant 0 : i32
        %dma_start3A_210 = tpu.memref_slice %arg2[%dma_start3A_208, %dma_start3A_209] : memref<10000x128xf32, #tpu.memory_space<hbm>> -> memref<10000x128xf32, #tpu.memory_space<hbm>>
        tpu.enqueue_indirect_dma source(%dma_start3A_210 : memref<10000x128xf32, #tpu.memory_space<hbm>>) target(%arg10 : memref<128x128xf32, #tpu.memory_space<vmem>>) offsets(%dma_start3A_207 : memref<128xi32, #tpu.memory_space<vmem>>) semaphore(%arg13 : memref<!tpu.dma_semaphore, #tpu.memory_space<semaphore_mem>>)
      } else {
      }
      %mul3A_167 = arith.constant 4 : i32
      %mul3A_168 = arith.muli %mul3A_167, %add3A_92 : i32
      %add3A_169 = arith.constant 3 : i32
      %add3A_170 = arith.addi %mul3A_168, %add3A_169 : i32
      %dma_wait3A_171 = arith.constant 0 : i32
      %dma_wait3A_172 = arith.constant 0 : i32
      %dma_wait3A_173 = tpu.memref_slice %arg9[%dma_wait3A_171, %dma_wait3A_172] : memref<2x128xi32, #tpu.memory_space<vmem>> -> memref<1x128xi32, #tpu.memory_space<vmem>>
      %dma_wait3A_174 = tpu.memref_squeeze %dma_wait3A_173 : memref<1x128xi32, #tpu.memory_space<vmem>> -> memref<128xi32, #tpu.memory_space<vmem>>
      %dma_wait3A_175 = arith.constant 0 : i32
      %dma_wait3A_176 = arith.constant 0 : i32
      %dma_wait3A_177 = tpu.memref_slice %arg2[%dma_wait3A_175, %dma_wait3A_176] : memref<10000x128xf32, #tpu.memory_space<hbm>> -> memref<10000x128xf32, #tpu.memory_space<hbm>>
      tpu.wait_indirect_dma semaphore(%arg14 : memref<!tpu.dma_semaphore, #tpu.memory_space<semaphore_mem>>) src(%dma_wait3A_177 : memref<10000x128xf32, #tpu.memory_space<hbm>>) dst(%arg11 : memref<128x128xf32, #tpu.memory_space<vmem>>)
      %run_scoped3A_178 = arith.constant 1 : i32
      "tpu.region"() ({
        %run_scoped3A_193 = tpu.sem_alloc : memref<!tpu.dma_semaphore, #tpu.memory_space<semaphore_mem>>
        %dma_start3A_194 = arith.constant 0 : i32
        %dma_start3A_195 = tpu.memref_slice %arg9[%run_scoped3A_178, %dma_start3A_194] : memref<2x128xi32, #tpu.memory_space<vmem>> -> memref<1x128xi32, #tpu.memory_space<vmem>>
        %dma_start3A_196 = tpu.memref_squeeze %dma_start3A_195 : memref<1x128xi32, #tpu.memory_space<vmem>> -> memref<128xi32, #tpu.memory_space<vmem>>
        %dma_start3A_197 = arith.constant 0 : i32
        %dma_start3A_198 = arith.constant 0 : i32
        %dma_start3A_199 = tpu.memref_slice %arg12[%dma_start3A_197, %dma_start3A_198] : memref<10240x128xf32, #tpu.memory_space<vmem_shared>> -> memref<10240x128xf32, #tpu.memory_space<vmem_shared>>
        tpu.enqueue_indirect_dma source(%arg11 : memref<128x128xf32, #tpu.memory_space<vmem>>) target(%dma_start3A_199 : memref<10240x128xf32, #tpu.memory_space<vmem_shared>>) offsets(%dma_start3A_196 : memref<128xi32, #tpu.memory_space<vmem>>) semaphore(%run_scoped3A_193 : memref<!tpu.dma_semaphore, #tpu.memory_space<semaphore_mem>>) {add = true}
        %dma_wait3A_200 = arith.constant 0 : i32
        %dma_wait3A_201 = tpu.memref_slice %arg9[%run_scoped3A_178, %dma_wait3A_200] : memref<2x128xi32, #tpu.memory_space<vmem>> -> memref<1x128xi32, #tpu.memory_space<vmem>>
        %dma_wait3A_202 = tpu.memref_squeeze %dma_wait3A_201 : memref<1x128xi32, #tpu.memory_space<vmem>> -> memref<128xi32, #tpu.memory_space<vmem>>
        %dma_wait3A_203 = arith.constant 0 : i32
        %dma_wait3A_204 = arith.constant 0 : i32
        %dma_wait3A_205 = tpu.memref_slice %arg12[%dma_wait3A_203, %dma_wait3A_204] : memref<10240x128xf32, #tpu.memory_space<vmem_shared>> -> memref<10240x128xf32, #tpu.memory_space<vmem_shared>>
        tpu.wait_indirect_dma semaphore(%run_scoped3A_193 : memref<!tpu.dma_semaphore, #tpu.memory_space<semaphore_mem>>) src(%arg11 : memref<128x128xf32, #tpu.memory_space<vmem>>) dst(%dma_wait3A_205 : memref<10240x128xf32, #tpu.memory_space<vmem_shared>>)
        tpu.yield
      }) : () -> ()
      %add3A_179 = arith.constant 4 : i32
      %add3A_180 = arith.addi %add3A_170, %add3A_179 : i32
      %lt3A_181 = arith.constant 80 : i32
      %lt3A_182 = arith.cmpi slt, %add3A_180, %lt3A_181 : i32
      %convert_element_type3A_183 = arith.extui %lt3A_182 : i1 to i32
      %cond3A_184 = arith.constant 0 : i32
      %cond3A_185 = arith.cmpi ne, %convert_element_type3A_183, %cond3A_184 : i32
      scf.if %cond3A_185 {
        %add3A_193 = arith.constant 4 : i32
        %add3A_194 = arith.addi %add3A_170, %add3A_193 : i32
        %add3A_195 = arith.addi %mul3A_6, %add3A_194 : i32
        %dma_start3A_196 = arith.constant 0 : i32
        %dma_start3A_197 = arith.constant 0 : i32
        %dma_start3A_198 = tpu.memref_slice %arg3[%add3A_195, %dma_start3A_196, %dma_start3A_197] : memref<2560x2x128xi32, #tpu.memory_space<hbm>> -> memref<1x2x128xi32, #tpu.memory_space<hbm>>
        %dma_start3A_199 = tpu.memref_squeeze %dma_start3A_198 : memref<1x2x128xi32, #tpu.memory_space<hbm>> -> memref<2x128xi32, #tpu.memory_space<hbm>>
        %dma_start3A_200 = arith.constant 0 : i32
        %dma_start3A_201 = arith.constant 0 : i32
        %dma_start3A_202 = tpu.memref_slice %arg3[%add3A_195, %dma_start3A_200, %dma_start3A_201] : memref<2560x2x128xi32, #tpu.memory_space<hbm>> -> memref<1x2x128xi32, #tpu.memory_space<hbm>>
        %dma_start3A_203 = tpu.memref_squeeze %dma_start3A_202 : memref<1x2x128xi32, #tpu.memory_space<hbm>> -> memref<2x128xi32, #tpu.memory_space<hbm>>
        tpu.enqueue_dma source(%dma_start3A_203 : memref<2x128xi32, #tpu.memory_space<hbm>>) target(%arg9 : memref<2x128xi32, #tpu.memory_space<vmem>>) target_semaphore(%arg18 : memref<!tpu.dma_semaphore, #tpu.memory_space<semaphore_mem>>)
      } else {
      }
      %add3A_186 = arith.constant 2 : i32
      %add3A_187 = arith.addi %add3A_170, %add3A_186 : i32
      %lt3A_188 = arith.constant 80 : i32
      %lt3A_189 = arith.cmpi slt, %add3A_187, %lt3A_188 : i32
      %convert_element_type3A_190 = arith.extui %lt3A_189 : i1 to i32
      %cond3A_191 = arith.constant 0 : i32
      %cond3A_192 = arith.cmpi ne, %convert_element_type3A_190, %cond3A_191 : i32
      scf.if %cond3A_192 {
        %add3A_193 = arith.constant 2 : i32
        %add3A_194 = arith.addi %add3A_170, %add3A_193 : i32
        %add3A_195 = arith.addi %mul3A_6, %add3A_194 : i32
        %dma_wait3A_196 = arith.constant 0 : i32
        %dma_wait3A_197 = arith.constant 0 : i32
        %dma_wait3A_198 = tpu.memref_slice %arg3[%add3A_195, %dma_wait3A_196, %dma_wait3A_197] : memref<2560x2x128xi32, #tpu.memory_space<hbm>> -> memref<1x2x128xi32, #tpu.memory_space<hbm>>
        %dma_wait3A_199 = tpu.memref_squeeze %dma_wait3A_198 : memref<1x2x128xi32, #tpu.memory_space<hbm>> -> memref<2x128xi32, #tpu.memory_space<hbm>>
        %dma_wait3A_200 = arith.constant 0 : i32
        %dma_wait3A_201 = arith.constant 0 : i32
        %dma_wait3A_202 = tpu.memref_slice %arg3[%add3A_195, %dma_wait3A_200, %dma_wait3A_201] : memref<2560x2x128xi32, #tpu.memory_space<hbm>> -> memref<1x2x128xi32, #tpu.memory_space<hbm>>
        %dma_wait3A_203 = tpu.memref_squeeze %dma_wait3A_202 : memref<1x2x128xi32, #tpu.memory_space<hbm>> -> memref<2x128xi32, #tpu.memory_space<hbm>>
        tpu.wait_dma2 semaphore(%arg16 : memref<!tpu.dma_semaphore, #tpu.memory_space<semaphore_mem>>) src(%dma_wait3A_203 : memref<2x128xi32, #tpu.memory_space<hbm>>) dst(%arg7 : memref<2x128xi32, #tpu.memory_space<vmem>>)
        %dma_start3A_204 = arith.constant 0 : i32
        %dma_start3A_205 = arith.constant 0 : i32
        %dma_start3A_206 = tpu.memref_slice %arg7[%dma_start3A_204, %dma_start3A_205] : memref<2x128xi32, #tpu.memory_space<vmem>> -> memref<1x128xi32, #tpu.memory_space<vmem>>
        %dma_start3A_207 = tpu.memref_squeeze %dma_start3A_206 : memref<1x128xi32, #tpu.memory_space<vmem>> -> memref<128xi32, #tpu.memory_space<vmem>>
        %dma_start3A_208 = arith.constant 0 : i32
        %dma_start3A_209 = arith.constant 0 : i32
        %dma_start3A_210 = tpu.memref_slice %arg2[%dma_start3A_208, %dma_start3A_209] : memref<10000x128xf32, #tpu.memory_space<hbm>> -> memref<10000x128xf32, #tpu.memory_space<hbm>>
        tpu.enqueue_indirect_dma source(%dma_start3A_210 : memref<10000x128xf32, #tpu.memory_space<hbm>>) target(%arg11 : memref<128x128xf32, #tpu.memory_space<vmem>>) offsets(%dma_start3A_207 : memref<128xi32, #tpu.memory_space<vmem>>) semaphore(%arg14 : memref<!tpu.dma_semaphore, #tpu.memory_space<semaphore_mem>>)
      } else {
      }
    }
    %scan3A_82 = arith.constant 20 : i32
    %barrier3A_83 = arith.constant 0 : index
    tpu.barrier barrier_id(%barrier3A_83)
    %mul3A_84 = arith.constant 640 : i32
    %mul3A_85 = arith.muli %arg1, %mul3A_84 : i32
    %mul3A_86 = arith.constant 640 : i32
    %mul3A_87 = arith.muli %arg1, %mul3A_86 : i32
    "tpu.region"() ({
      %run_scoped3A = tpu.sem_alloc : memref<!tpu.dma_semaphore, #tpu.memory_space<semaphore_mem>>
      %dma_start3A_88 = arith.constant 0 : i32
      %dma_start3A_89 = tpu.memref_slice %arg5[%arg0, %mul3A_87, %dma_start3A_88] : memref<2x10240x128xf32, #tpu.memory_space<hbm>> -> memref<1x640x128xf32, #tpu.memory_space<hbm>>
      %dma_start3A_90 = tpu.memref_squeeze %dma_start3A_89 : memref<1x640x128xf32, #tpu.memory_space<hbm>> -> memref<640x128xf32, #tpu.memory_space<hbm>>
      %dma_start3A_91 = arith.constant 0 : i32
      %dma_start3A_92 = tpu.memref_slice %arg12[%mul3A_85, %dma_start3A_91] : memref<10240x128xf32, #tpu.memory_space<vmem_shared>> -> memref<640x128xf32, #tpu.memory_space<vmem_shared>>
      tpu.enqueue_dma source(%dma_start3A_92 : memref<640x128xf32, #tpu.memory_space<vmem_shared>>) target(%dma_start3A_90 : memref<640x128xf32, #tpu.memory_space<hbm>>) target_semaphore(%run_scoped3A : memref<!tpu.dma_semaphore, #tpu.memory_space<semaphore_mem>>)
      %dma_wait3A_93 = arith.constant 0 : i32
      %dma_wait3A_94 = tpu.memref_slice %arg5[%arg0, %mul3A_87, %dma_wait3A_93] : memref<2x10240x128xf32, #tpu.memory_space<hbm>> -> memref<1x640x128xf32, #tpu.memory_space<hbm>>
      %dma_wait3A_95 = tpu.memref_squeeze %dma_wait3A_94 : memref<1x640x128xf32, #tpu.memory_space<hbm>> -> memref<640x128xf32, #tpu.memory_space<hbm>>
      %dma_wait3A_96 = arith.constant 0 : i32
      %dma_wait3A_97 = tpu.memref_slice %arg12[%mul3A_85, %dma_wait3A_96] : memref<10240x128xf32, #tpu.memory_space<vmem_shared>> -> memref<640x128xf32, #tpu.memory_space<vmem_shared>>
      tpu.wait_dma2 semaphore(%run_scoped3A : memref<!tpu.dma_semaphore, #tpu.memory_space<semaphore_mem>>) src(%dma_wait3A_97 : memref<640x128xf32, #tpu.memory_space<vmem_shared>>) dst(%dma_wait3A_95 : memref<640x128xf32, #tpu.memory_space<hbm>>)
      tpu.yield
    }) : () -> ()
    return
  }
}

#map = affine_map<(d0, d1) -> (0)>
#map1 = affine_map<(d0, d1) -> (0, 0)>
module attributes {stable_mosaic.version = 14 : i64} {
  func.func @deg_kernel(%arg0: i32, %arg1: i32, %arg2: memref<327680xi32, #tpu.memory_space<hbm>>, %arg3: memref<10240xf32, #tpu.memory_space<hbm>>, %arg4: memref<32x10240xf32, #tpu.memory_space<hbm>>, %arg5: memref<128xi32, #tpu.memory_space<vmem>>, %arg6: memref<128xi32, #tpu.memory_space<vmem>>, %arg7: memref<10240xf32, #tpu.memory_space<vmem>>, %arg8: memref<!tpu.dma_semaphore, #tpu.memory_space<semaphore_mem>>, %arg9: memref<!tpu.dma_semaphore, #tpu.memory_space<semaphore_mem>>) attributes {dimension_semantics = [#tpu.dimension_semantics<core_parallel>, #tpu.dimension_semantics<subcore_parallel>], iteration_bounds = array<i64: 2, 16>, scalar_prefetch = 0 : i64, scratch_operands = 5 : i64, tpu.core_type = #tpu.core_type<sc_vector_subcore>, window_params = [{transform_indices = #map}, {transform_indices = #map}, {transform_indices = #map1}]} {
    %mul3A = arith.constant 16 : i32
    %mul3A_0 = arith.muli %arg0, %mul3A : i32
    %add3A = arith.addi %mul3A_0, %arg1 : i32
    "tpu.region"() ({
      %run_scoped3A = tpu.sem_alloc : memref<!tpu.dma_semaphore, #tpu.memory_space<semaphore_mem>>
      tpu.enqueue_dma source(%arg3 : memref<10240xf32, #tpu.memory_space<hbm>>) target(%arg7 : memref<10240xf32, #tpu.memory_space<vmem>>) target_semaphore(%run_scoped3A : memref<!tpu.dma_semaphore, #tpu.memory_space<semaphore_mem>>)
      tpu.wait_dma2 semaphore(%run_scoped3A : memref<!tpu.dma_semaphore, #tpu.memory_space<semaphore_mem>>) src(%arg3 : memref<10240xf32, #tpu.memory_space<hbm>>) dst(%arg7 : memref<10240xf32, #tpu.memory_space<vmem>>)
      tpu.yield
    }) : () -> ()
    %mul3A_1 = arith.constant 10240 : i32
    %mul3A_2 = arith.muli %add3A, %mul3A_1 : i32
    %add3A_3 = arith.constant 0 : i32
    %add3A_4 = arith.addi %mul3A_2, %add3A_3 : i32
    %dma_start3A = tpu.memref_slice %arg2[%add3A_4] : memref<327680xi32, #tpu.memory_space<hbm>> -> memref<128xi32, #tpu.memory_space<hbm>>
    %dma_start3A_5 = tpu.memref_slice %arg2[%add3A_4] : memref<327680xi32, #tpu.memory_space<hbm>> -> memref<128xi32, #tpu.memory_space<hbm>>
    tpu.enqueue_dma source(%dma_start3A_5 : memref<128xi32, #tpu.memory_space<hbm>>) target(%arg5 : memref<128xi32, #tpu.memory_space<vmem>>) target_semaphore(%arg8 : memref<!tpu.dma_semaphore, #tpu.memory_space<semaphore_mem>>)
    %add3A_6 = arith.constant 128 : i32
    %add3A_7 = arith.addi %mul3A_2, %add3A_6 : i32
    %dma_start3A_8 = tpu.memref_slice %arg2[%add3A_7] : memref<327680xi32, #tpu.memory_space<hbm>> -> memref<128xi32, #tpu.memory_space<hbm>>
    %dma_start3A_9 = tpu.memref_slice %arg2[%add3A_7] : memref<327680xi32, #tpu.memory_space<hbm>> -> memref<128xi32, #tpu.memory_space<hbm>>
    tpu.enqueue_dma source(%dma_start3A_9 : memref<128xi32, #tpu.memory_space<hbm>>) target(%arg6 : memref<128xi32, #tpu.memory_space<vmem>>) target_semaphore(%arg9 : memref<!tpu.dma_semaphore, #tpu.memory_space<semaphore_mem>>)
    %scan3A = arith.constant 0 : i32
    %scan3A_10 = arith.constant 40 : i32
    %scan3A_11 = arith.addi %scan3A, %scan3A_10 : i32
    %scan3A_12 = arith.constant 1 : i32
    scf.for %scan3A_14 = %scan3A to %scan3A_11 step %scan3A_12  : i32 {
      %mul3A_15 = arith.constant 1 : i32
      %mul3A_16 = arith.muli %scan3A_14, %mul3A_15 : i32
      %add3A_17 = arith.constant 0 : i32
      %add3A_18 = arith.addi %add3A_17, %mul3A_16 : i32
      %mul3A_19 = arith.constant 2 : i32
      %mul3A_20 = arith.muli %mul3A_19, %add3A_18 : i32
      %add3A_21 = arith.constant 0 : i32
      %add3A_22 = arith.addi %mul3A_20, %add3A_21 : i32
      %mul3A_23 = arith.constant 128 : i32
      %mul3A_24 = arith.muli %add3A_22, %mul3A_23 : i32
      %add3A_25 = arith.addi %mul3A_2, %mul3A_24 : i32
      %dma_wait3A = tpu.memref_slice %arg2[%add3A_25] : memref<327680xi32, #tpu.memory_space<hbm>> -> memref<128xi32, #tpu.memory_space<hbm>>
      %dma_wait3A_26 = tpu.memref_slice %arg2[%add3A_25] : memref<327680xi32, #tpu.memory_space<hbm>> -> memref<128xi32, #tpu.memory_space<hbm>>
      tpu.wait_dma2 semaphore(%arg8 : memref<!tpu.dma_semaphore, #tpu.memory_space<semaphore_mem>>) src(%dma_wait3A_26 : memref<128xi32, #tpu.memory_space<hbm>>) dst(%arg5 : memref<128xi32, #tpu.memory_space<vmem>>)
      %get3A = arith.constant 0 : index
      %get3A_27 = tpu.vector_load %arg5[%get3A] {strides = array<i32>} : memref<128xi32, #tpu.memory_space<vmem>>, vector<16xi32>,
      %broadcast_in_dim3A = arith.constant true
      %broadcast_in_dim3A_28 = vector.broadcast %broadcast_in_dim3A : i1 to vector<16xi1>
      %unique3A, %unique3A_29 = tpu.scan_count mask(%broadcast_in_dim3A_28 : vector<16xi1>) value(%get3A_27 : vector<16xi32>) : vector<16xi1>, vector<16xi32>
      %gather3A = tpu.vector_load_idx %arg7[%get3A_27] masked %unique3A : memref<10240xf32, #tpu.memory_space<vmem>>[vector<16xi32>], vector<16xf32>, vector<16xi1>
      %convert_element_type3A = arith.sitofp %unique3A_29 : vector<16xi32> to vector<16xf32>
      %add3A_30 = arith.addf %gather3A, %convert_element_type3A : vector<16xf32>
      tpu.vector_store_idx %arg7[%get3A_27], %add3A_30 masked %unique3A : memref<10240xf32, #tpu.memory_space<vmem>>[vector<16xi32>], vector<16xf32>, vector<16xi1>
      %get3A_31 = arith.constant 16 : index
      %get3A_32 = tpu.vector_load %arg5[%get3A_31] {strides = array<i32>} : memref<128xi32, #tpu.memory_space<vmem>>, vector<16xi32>,
      %broadcast_in_dim3A_33 = arith.constant true
      %broadcast_in_dim3A_34 = vector.broadcast %broadcast_in_dim3A_33 : i1 to vector<16xi1>
      %unique3A_35, %unique3A_36 = tpu.scan_count mask(%broadcast_in_dim3A_34 : vector<16xi1>) value(%get3A_32 : vector<16xi32>) : vector<16xi1>, vector<16xi32>
      %gather3A_37 = tpu.vector_load_idx %arg7[%get3A_32] masked %unique3A_35 : memref<10240xf32, #tpu.memory_space<vmem>>[vector<16xi32>], vector<16xf32>, vector<16xi1>
      %convert_element_type3A_38 = arith.sitofp %unique3A_36 : vector<16xi32> to vector<16xf32>
      %add3A_39 = arith.addf %gather3A_37, %convert_element_type3A_38 : vector<16xf32>
      tpu.vector_store_idx %arg7[%get3A_32], %add3A_39 masked %unique3A_35 : memref<10240xf32, #tpu.memory_space<vmem>>[vector<16xi32>], vector<16xf32>, vector<16xi1>
      %get3A_40 = arith.constant 32 : index
      %get3A_41 = tpu.vector_load %arg5[%get3A_40] {strides = array<i32>} : memref<128xi32, #tpu.memory_space<vmem>>, vector<16xi32>,
      %broadcast_in_dim3A_42 = arith.constant true
      %broadcast_in_dim3A_43 = vector.broadcast %broadcast_in_dim3A_42 : i1 to vector<16xi1>
      %unique3A_44, %unique3A_45 = tpu.scan_count mask(%broadcast_in_dim3A_43 : vector<16xi1>) value(%get3A_41 : vector<16xi32>) : vector<16xi1>, vector<16xi32>
      %gather3A_46 = tpu.vector_load_idx %arg7[%get3A_41] masked %unique3A_44 : memref<10240xf32, #tpu.memory_space<vmem>>[vector<16xi32>], vector<16xf32>, vector<16xi1>
      %convert_element_type3A_47 = arith.sitofp %unique3A_45 : vector<16xi32> to vector<16xf32>
      %add3A_48 = arith.addf %gather3A_46, %convert_element_type3A_47 : vector<16xf32>
      tpu.vector_store_idx %arg7[%get3A_41], %add3A_48 masked %unique3A_44 : memref<10240xf32, #tpu.memory_space<vmem>>[vector<16xi32>], vector<16xf32>, vector<16xi1>
      %get3A_49 = arith.constant 48 : index
      %get3A_50 = tpu.vector_load %arg5[%get3A_49] {strides = array<i32>} : memref<128xi32, #tpu.memory_space<vmem>>, vector<16xi32>,
      %broadcast_in_dim3A_51 = arith.constant true
      %broadcast_in_dim3A_52 = vector.broadcast %broadcast_in_dim3A_51 : i1 to vector<16xi1>
      %unique3A_53, %unique3A_54 = tpu.scan_count mask(%broadcast_in_dim3A_52 : vector<16xi1>) value(%get3A_50 : vector<16xi32>) : vector<16xi1>, vector<16xi32>
      %gather3A_55 = tpu.vector_load_idx %arg7[%get3A_50] masked %unique3A_53 : memref<10240xf32, #tpu.memory_space<vmem>>[vector<16xi32>], vector<16xf32>, vector<16xi1>
      %convert_element_type3A_56 = arith.sitofp %unique3A_54 : vector<16xi32> to vector<16xf32>
      %add3A_57 = arith.addf %gather3A_55, %convert_element_type3A_56 : vector<16xf32>
      tpu.vector_store_idx %arg7[%get3A_50], %add3A_57 masked %unique3A_53 : memref<10240xf32, #tpu.memory_space<vmem>>[vector<16xi32>], vector<16xf32>, vector<16xi1>
      %get3A_58 = arith.constant 64 : index
      %get3A_59 = tpu.vector_load %arg5[%get3A_58] {strides = array<i32>} : memref<128xi32, #tpu.memory_space<vmem>>, vector<16xi32>,
      %broadcast_in_dim3A_60 = arith.constant true
      %broadcast_in_dim3A_61 = vector.broadcast %broadcast_in_dim3A_60 : i1 to vector<16xi1>
      %unique3A_62, %unique3A_63 = tpu.scan_count mask(%broadcast_in_dim3A_61 : vector<16xi1>) value(%get3A_59 : vector<16xi32>) : vector<16xi1>, vector<16xi32>
      %gather3A_64 = tpu.vector_load_idx %arg7[%get3A_59] masked %unique3A_62 : memref<10240xf32, #tpu.memory_space<vmem>>[vector<16xi32>], vector<16xf32>, vector<16xi1>
      %convert_element_type3A_65 = arith.sitofp %unique3A_63 : vector<16xi32> to vector<16xf32>
      %add3A_66 = arith.addf %gather3A_64, %convert_element_type3A_65 : vector<16xf32>
      tpu.vector_store_idx %arg7[%get3A_59], %add3A_66 masked %unique3A_62 : memref<10240xf32, #tpu.memory_space<vmem>>[vector<16xi32>], vector<16xf32>, vector<16xi1>
      %get3A_67 = arith.constant 80 : index
      %get3A_68 = tpu.vector_load %arg5[%get3A_67] {strides = array<i32>} : memref<128xi32, #tpu.memory_space<vmem>>, vector<16xi32>,
      %broadcast_in_dim3A_69 = arith.constant true
      %broadcast_in_dim3A_70 = vector.broadcast %broadcast_in_dim3A_69 : i1 to vector<16xi1>
      %unique3A_71, %unique3A_72 = tpu.scan_count mask(%broadcast_in_dim3A_70 : vector<16xi1>) value(%get3A_68 : vector<16xi32>) : vector<16xi1>, vector<16xi32>
      %gather3A_73 = tpu.vector_load_idx %arg7[%get3A_68] masked %unique3A_71 : memref<10240xf32, #tpu.memory_space<vmem>>[vector<16xi32>], vector<16xf32>, vector<16xi1>
      %convert_element_type3A_74 = arith.sitofp %unique3A_72 : vector<16xi32> to vector<16xf32>
      %add3A_75 = arith.addf %gather3A_73, %convert_element_type3A_74 : vector<16xf32>
      tpu.vector_store_idx %arg7[%get3A_68], %add3A_75 masked %unique3A_71 : memref<10240xf32, #tpu.memory_space<vmem>>[vector<16xi32>], vector<16xf32>, vector<16xi1>
      %get3A_76 = arith.constant 96 : index
      %get3A_77 = tpu.vector_load %arg5[%get3A_76] {strides = array<i32>} : memref<128xi32, #tpu.memory_space<vmem>>, vector<16xi32>,
      %broadcast_in_dim3A_78 = arith.constant true
      %broadcast_in_dim3A_79 = vector.broadcast %broadcast_in_dim3A_78 : i1 to vector<16xi1>
      %unique3A_80, %unique3A_81 = tpu.scan_count mask(%broadcast_in_dim3A_79 : vector<16xi1>) value(%get3A_77 : vector<16xi32>) : vector<16xi1>, vector<16xi32>
      %gather3A_82 = tpu.vector_load_idx %arg7[%get3A_77] masked %unique3A_80 : memref<10240xf32, #tpu.memory_space<vmem>>[vector<16xi32>], vector<16xf32>, vector<16xi1>
      %convert_element_type3A_83 = arith.sitofp %unique3A_81 : vector<16xi32> to vector<16xf32>
      %add3A_84 = arith.addf %gather3A_82, %convert_element_type3A_83 : vector<16xf32>
      tpu.vector_store_idx %arg7[%get3A_77], %add3A_84 masked %unique3A_80 : memref<10240xf32, #tpu.memory_space<vmem>>[vector<16xi32>], vector<16xf32>, vector<16xi1>
      %get3A_85 = arith.constant 112 : index
      %get3A_86 = tpu.vector_load %arg5[%get3A_85] {strides = array<i32>} : memref<128xi32, #tpu.memory_space<vmem>>, vector<16xi32>,
      %broadcast_in_dim3A_87 = arith.constant true
      %broadcast_in_dim3A_88 = vector.broadcast %broadcast_in_dim3A_87 : i1 to vector<16xi1>
      %unique3A_89, %unique3A_90 = tpu.scan_count mask(%broadcast_in_dim3A_88 : vector<16xi1>) value(%get3A_86 : vector<16xi32>) : vector<16xi1>, vector<16xi32>
      %gather3A_91 = tpu.vector_load_idx %arg7[%get3A_86] masked %unique3A_89 : memref<10240xf32, #tpu.memory_space<vmem>>[vector<16xi32>], vector<16xf32>, vector<16xi1>
      %convert_element_type3A_92 = arith.sitofp %unique3A_90 : vector<16xi32> to vector<16xf32>
      %add3A_93 = arith.addf %gather3A_91, %convert_element_type3A_92 : vector<16xf32>
      tpu.vector_store_idx %arg7[%get3A_86], %add3A_93 masked %unique3A_89 : memref<10240xf32, #tpu.memory_space<vmem>>[vector<16xi32>], vector<16xf32>, vector<16xi1>
      %add3A_94 = arith.constant 2 : i32
      %add3A_95 = arith.addi %mul3A_20, %add3A_94 : i32
      %add3A_96 = arith.constant 0 : i32
      %add3A_97 = arith.addi %add3A_95, %add3A_96 : i32
      %lt3A = arith.constant 80 : i32
      %lt3A_98 = arith.cmpi slt, %add3A_97, %lt3A : i32
      %convert_element_type3A_99 = arith.extui %lt3A_98 : i1 to i32
      %cond3A = arith.constant 0 : i32
      %cond3A_100 = arith.cmpi ne, %convert_element_type3A_99, %cond3A : i32
      scf.if %cond3A_100 {
        %add3A_189 = arith.constant 2 : i32
        %add3A_190 = arith.addi %mul3A_20, %add3A_189 : i32
        %add3A_191 = arith.constant 0 : i32
        %add3A_192 = arith.addi %add3A_190, %add3A_191 : i32
        %mul3A_193 = arith.constant 128 : i32
        %mul3A_194 = arith.muli %add3A_192, %mul3A_193 : i32
        %add3A_195 = arith.addi %mul3A_2, %mul3A_194 : i32
        %dma_start3A_196 = tpu.memref_slice %arg2[%add3A_195] : memref<327680xi32, #tpu.memory_space<hbm>> -> memref<128xi32, #tpu.memory_space<hbm>>
        %dma_start3A_197 = tpu.memref_slice %arg2[%add3A_195] : memref<327680xi32, #tpu.memory_space<hbm>> -> memref<128xi32, #tpu.memory_space<hbm>>
        tpu.enqueue_dma source(%dma_start3A_197 : memref<128xi32, #tpu.memory_space<hbm>>) target(%arg5 : memref<128xi32, #tpu.memory_space<vmem>>) target_semaphore(%arg8 : memref<!tpu.dma_semaphore, #tpu.memory_space<semaphore_mem>>)
      } else {
      }
      %add3A_101 = arith.constant 1 : i32
      %add3A_102 = arith.addi %mul3A_20, %add3A_101 : i32
      %mul3A_103 = arith.constant 128 : i32
      %mul3A_104 = arith.muli %add3A_102, %mul3A_103 : i32
      %add3A_105 = arith.addi %mul3A_2, %mul3A_104 : i32
      %dma_wait3A_106 = tpu.memref_slice %arg2[%add3A_105] : memref<327680xi32, #tpu.memory_space<hbm>> -> memref<128xi32, #tpu.memory_space<hbm>>
      %dma_wait3A_107 = tpu.memref_slice %arg2[%add3A_105] : memref<327680xi32, #tpu.memory_space<hbm>> -> memref<128xi32, #tpu.memory_space<hbm>>
      tpu.wait_dma2 semaphore(%arg9 : memref<!tpu.dma_semaphore, #tpu.memory_space<semaphore_mem>>) src(%dma_wait3A_107 : memref<128xi32, #tpu.memory_space<hbm>>) dst(%arg6 : memref<128xi32, #tpu.memory_space<vmem>>)
      %get3A_108 = arith.constant 0 : index
      %get3A_109 = tpu.vector_load %arg6[%get3A_108] {strides = array<i32>} : memref<128xi32, #tpu.memory_space<vmem>>, vector<16xi32>,
      %broadcast_in_dim3A_110 = arith.constant true
      %broadcast_in_dim3A_111 = vector.broadcast %broadcast_in_dim3A_110 : i1 to vector<16xi1>
      %unique3A_112, %unique3A_113 = tpu.scan_count mask(%broadcast_in_dim3A_111 : vector<16xi1>) value(%get3A_109 : vector<16xi32>) : vector<16xi1>, vector<16xi32>
      %gather3A_114 = tpu.vector_load_idx %arg7[%get3A_109] masked %unique3A_112 : memref<10240xf32, #tpu.memory_space<vmem>>[vector<16xi32>], vector<16xf32>, vector<16xi1>
      %convert_element_type3A_115 = arith.sitofp %unique3A_113 : vector<16xi32> to vector<16xf32>
      %add3A_116 = arith.addf %gather3A_114, %convert_element_type3A_115 : vector<16xf32>
      tpu.vector_store_idx %arg7[%get3A_109], %add3A_116 masked %unique3A_112 : memref<10240xf32, #tpu.memory_space<vmem>>[vector<16xi32>], vector<16xf32>, vector<16xi1>
      %get3A_117 = arith.constant 16 : index
      %get3A_118 = tpu.vector_load %arg6[%get3A_117] {strides = array<i32>} : memref<128xi32, #tpu.memory_space<vmem>>, vector<16xi32>,
      %broadcast_in_dim3A_119 = arith.constant true
      %broadcast_in_dim3A_120 = vector.broadcast %broadcast_in_dim3A_119 : i1 to vector<16xi1>
      %unique3A_121, %unique3A_122 = tpu.scan_count mask(%broadcast_in_dim3A_120 : vector<16xi1>) value(%get3A_118 : vector<16xi32>) : vector<16xi1>, vector<16xi32>
      %gather3A_123 = tpu.vector_load_idx %arg7[%get3A_118] masked %unique3A_121 : memref<10240xf32, #tpu.memory_space<vmem>>[vector<16xi32>], vector<16xf32>, vector<16xi1>
      %convert_element_type3A_124 = arith.sitofp %unique3A_122 : vector<16xi32> to vector<16xf32>
      %add3A_125 = arith.addf %gather3A_123, %convert_element_type3A_124 : vector<16xf32>
      tpu.vector_store_idx %arg7[%get3A_118], %add3A_125 masked %unique3A_121 : memref<10240xf32, #tpu.memory_space<vmem>>[vector<16xi32>], vector<16xf32>, vector<16xi1>
      %get3A_126 = arith.constant 32 : index
      %get3A_127 = tpu.vector_load %arg6[%get3A_126] {strides = array<i32>} : memref<128xi32, #tpu.memory_space<vmem>>, vector<16xi32>,
      %broadcast_in_dim3A_128 = arith.constant true
      %broadcast_in_dim3A_129 = vector.broadcast %broadcast_in_dim3A_128 : i1 to vector<16xi1>
      %unique3A_130, %unique3A_131 = tpu.scan_count mask(%broadcast_in_dim3A_129 : vector<16xi1>) value(%get3A_127 : vector<16xi32>) : vector<16xi1>, vector<16xi32>
      %gather3A_132 = tpu.vector_load_idx %arg7[%get3A_127] masked %unique3A_130 : memref<10240xf32, #tpu.memory_space<vmem>>[vector<16xi32>], vector<16xf32>, vector<16xi1>
      %convert_element_type3A_133 = arith.sitofp %unique3A_131 : vector<16xi32> to vector<16xf32>
      %add3A_134 = arith.addf %gather3A_132, %convert_element_type3A_133 : vector<16xf32>
      tpu.vector_store_idx %arg7[%get3A_127], %add3A_134 masked %unique3A_130 : memref<10240xf32, #tpu.memory_space<vmem>>[vector<16xi32>], vector<16xf32>, vector<16xi1>
      %get3A_135 = arith.constant 48 : index
      %get3A_136 = tpu.vector_load %arg6[%get3A_135] {strides = array<i32>} : memref<128xi32, #tpu.memory_space<vmem>>, vector<16xi32>,
      %broadcast_in_dim3A_137 = arith.constant true
      %broadcast_in_dim3A_138 = vector.broadcast %broadcast_in_dim3A_137 : i1 to vector<16xi1>
      %unique3A_139, %unique3A_140 = tpu.scan_count mask(%broadcast_in_dim3A_138 : vector<16xi1>) value(%get3A_136 : vector<16xi32>) : vector<16xi1>, vector<16xi32>
      %gather3A_141 = tpu.vector_load_idx %arg7[%get3A_136] masked %unique3A_139 : memref<10240xf32, #tpu.memory_space<vmem>>[vector<16xi32>], vector<16xf32>, vector<16xi1>
      %convert_element_type3A_142 = arith.sitofp %unique3A_140 : vector<16xi32> to vector<16xf32>
      %add3A_143 = arith.addf %gather3A_141, %convert_element_type3A_142 : vector<16xf32>
      tpu.vector_store_idx %arg7[%get3A_136], %add3A_143 masked %unique3A_139 : memref<10240xf32, #tpu.memory_space<vmem>>[vector<16xi32>], vector<16xf32>, vector<16xi1>
      %get3A_144 = arith.constant 64 : index
      %get3A_145 = tpu.vector_load %arg6[%get3A_144] {strides = array<i32>} : memref<128xi32, #tpu.memory_space<vmem>>, vector<16xi32>,
      %broadcast_in_dim3A_146 = arith.constant true
      %broadcast_in_dim3A_147 = vector.broadcast %broadcast_in_dim3A_146 : i1 to vector<16xi1>
      %unique3A_148, %unique3A_149 = tpu.scan_count mask(%broadcast_in_dim3A_147 : vector<16xi1>) value(%get3A_145 : vector<16xi32>) : vector<16xi1>, vector<16xi32>
      %gather3A_150 = tpu.vector_load_idx %arg7[%get3A_145] masked %unique3A_148 : memref<10240xf32, #tpu.memory_space<vmem>>[vector<16xi32>], vector<16xf32>, vector<16xi1>
      %convert_element_type3A_151 = arith.sitofp %unique3A_149 : vector<16xi32> to vector<16xf32>
      %add3A_152 = arith.addf %gather3A_150, %convert_element_type3A_151 : vector<16xf32>
      tpu.vector_store_idx %arg7[%get3A_145], %add3A_152 masked %unique3A_148 : memref<10240xf32, #tpu.memory_space<vmem>>[vector<16xi32>], vector<16xf32>, vector<16xi1>
      %get3A_153 = arith.constant 80 : index
      %get3A_154 = tpu.vector_load %arg6[%get3A_153] {strides = array<i32>} : memref<128xi32, #tpu.memory_space<vmem>>, vector<16xi32>,
      %broadcast_in_dim3A_155 = arith.constant true
      %broadcast_in_dim3A_156 = vector.broadcast %broadcast_in_dim3A_155 : i1 to vector<16xi1>
      %unique3A_157, %unique3A_158 = tpu.scan_count mask(%broadcast_in_dim3A_156 : vector<16xi1>) value(%get3A_154 : vector<16xi32>) : vector<16xi1>, vector<16xi32>
      %gather3A_159 = tpu.vector_load_idx %arg7[%get3A_154] masked %unique3A_157 : memref<10240xf32, #tpu.memory_space<vmem>>[vector<16xi32>], vector<16xf32>, vector<16xi1>
      %convert_element_type3A_160 = arith.sitofp %unique3A_158 : vector<16xi32> to vector<16xf32>
      %add3A_161 = arith.addf %gather3A_159, %convert_element_type3A_160 : vector<16xf32>
      tpu.vector_store_idx %arg7[%get3A_154], %add3A_161 masked %unique3A_157 : memref<10240xf32, #tpu.memory_space<vmem>>[vector<16xi32>], vector<16xf32>, vector<16xi1>
      %get3A_162 = arith.constant 96 : index
      %get3A_163 = tpu.vector_load %arg6[%get3A_162] {strides = array<i32>} : memref<128xi32, #tpu.memory_space<vmem>>, vector<16xi32>,
      %broadcast_in_dim3A_164 = arith.constant true
      %broadcast_in_dim3A_165 = vector.broadcast %broadcast_in_dim3A_164 : i1 to vector<16xi1>
      %unique3A_166, %unique3A_167 = tpu.scan_count mask(%broadcast_in_dim3A_165 : vector<16xi1>) value(%get3A_163 : vector<16xi32>) : vector<16xi1>, vector<16xi32>
      %gather3A_168 = tpu.vector_load_idx %arg7[%get3A_163] masked %unique3A_166 : memref<10240xf32, #tpu.memory_space<vmem>>[vector<16xi32>], vector<16xf32>, vector<16xi1>
      %convert_element_type3A_169 = arith.sitofp %unique3A_167 : vector<16xi32> to vector<16xf32>
      %add3A_170 = arith.addf %gather3A_168, %convert_element_type3A_169 : vector<16xf32>
      tpu.vector_store_idx %arg7[%get3A_163], %add3A_170 masked %unique3A_166 : memref<10240xf32, #tpu.memory_space<vmem>>[vector<16xi32>], vector<16xf32>, vector<16xi1>
      %get3A_171 = arith.constant 112 : index
      %get3A_172 = tpu.vector_load %arg6[%get3A_171] {strides = array<i32>} : memref<128xi32, #tpu.memory_space<vmem>>, vector<16xi32>,
      %broadcast_in_dim3A_173 = arith.constant true
      %broadcast_in_dim3A_174 = vector.broadcast %broadcast_in_dim3A_173 : i1 to vector<16xi1>
      %unique3A_175, %unique3A_176 = tpu.scan_count mask(%broadcast_in_dim3A_174 : vector<16xi1>) value(%get3A_172 : vector<16xi32>) : vector<16xi1>, vector<16xi32>
      %gather3A_177 = tpu.vector_load_idx %arg7[%get3A_172] masked %unique3A_175 : memref<10240xf32, #tpu.memory_space<vmem>>[vector<16xi32>], vector<16xf32>, vector<16xi1>
      %convert_element_type3A_178 = arith.sitofp %unique3A_176 : vector<16xi32> to vector<16xf32>
      %add3A_179 = arith.addf %gather3A_177, %convert_element_type3A_178 : vector<16xf32>
      tpu.vector_store_idx %arg7[%get3A_172], %add3A_179 masked %unique3A_175 : memref<10240xf32, #tpu.memory_space<vmem>>[vector<16xi32>], vector<16xf32>, vector<16xi1>
      %add3A_180 = arith.constant 2 : i32
      %add3A_181 = arith.addi %mul3A_20, %add3A_180 : i32
      %add3A_182 = arith.constant 1 : i32
      %add3A_183 = arith.addi %add3A_181, %add3A_182 : i32
      %lt3A_184 = arith.constant 80 : i32
      %lt3A_185 = arith.cmpi slt, %add3A_183, %lt3A_184 : i32
      %convert_element_type3A_186 = arith.extui %lt3A_185 : i1 to i32
      %cond3A_187 = arith.constant 0 : i32
      %cond3A_188 = arith.cmpi ne, %convert_element_type3A_186, %cond3A_187 : i32
      scf.if %cond3A_188 {
        %add3A_189 = arith.constant 2 : i32
        %add3A_190 = arith.addi %mul3A_20, %add3A_189 : i32
        %add3A_191 = arith.constant 1 : i32
        %add3A_192 = arith.addi %add3A_190, %add3A_191 : i32
        %mul3A_193 = arith.constant 128 : i32
        %mul3A_194 = arith.muli %add3A_192, %mul3A_193 : i32
        %add3A_195 = arith.addi %mul3A_2, %mul3A_194 : i32
        %dma_start3A_196 = tpu.memref_slice %arg2[%add3A_195] : memref<327680xi32, #tpu.memory_space<hbm>> -> memref<128xi32, #tpu.memory_space<hbm>>
        %dma_start3A_197 = tpu.memref_slice %arg2[%add3A_195] : memref<327680xi32, #tpu.memory_space<hbm>> -> memref<128xi32, #tpu.memory_space<hbm>>
        tpu.enqueue_dma source(%dma_start3A_197 : memref<128xi32, #tpu.memory_space<hbm>>) target(%arg6 : memref<128xi32, #tpu.memory_space<vmem>>) target_semaphore(%arg9 : memref<!tpu.dma_semaphore, #tpu.memory_space<semaphore_mem>>)
      } else {
      }
    }
    %scan3A_13 = arith.constant 40 : i32
    "tpu.region"() ({
      %run_scoped3A = tpu.sem_alloc : memref<!tpu.dma_semaphore, #tpu.memory_space<semaphore_mem>>
      %dma_start3A_14 = arith.constant 0 : i32
      %dma_start3A_15 = tpu.memref_slice %arg4[%add3A, %dma_start3A_14] : memref<32x10240xf32, #tpu.memory_space<hbm>> -> memref<1x10240xf32, #tpu.memory_space<hbm>>
      %dma_start3A_16 = tpu.memref_squeeze %dma_start3A_15 : memref<1x10240xf32, #tpu.memory_space<hbm>> -> memref<10240xf32, #tpu.memory_space<hbm>>
      %dma_start3A_17 = arith.constant 0 : i32
      %dma_start3A_18 = tpu.memref_slice %arg4[%add3A, %dma_start3A_17] : memref<32x10240xf32, #tpu.memory_space<hbm>> -> memref<1x10240xf32, #tpu.memory_space<hbm>>
      %dma_start3A_19 = tpu.memref_squeeze %dma_start3A_18 : memref<1x10240xf32, #tpu.memory_space<hbm>> -> memref<10240xf32, #tpu.memory_space<hbm>>
      tpu.enqueue_dma source(%arg7 : memref<10240xf32, #tpu.memory_space<vmem>>) target(%dma_start3A_19 : memref<10240xf32, #tpu.memory_space<hbm>>) target_semaphore(%run_scoped3A : memref<!tpu.dma_semaphore, #tpu.memory_space<semaphore_mem>>)
      %dma_wait3A = arith.constant 0 : i32
      %dma_wait3A_20 = tpu.memref_slice %arg4[%add3A, %dma_wait3A] : memref<32x10240xf32, #tpu.memory_space<hbm>> -> memref<1x10240xf32, #tpu.memory_space<hbm>>
      %dma_wait3A_21 = tpu.memref_squeeze %dma_wait3A_20 : memref<1x10240xf32, #tpu.memory_space<hbm>> -> memref<10240xf32, #tpu.memory_space<hbm>>
      %dma_wait3A_22 = arith.constant 0 : i32
      %dma_wait3A_23 = tpu.memref_slice %arg4[%add3A, %dma_wait3A_22] : memref<32x10240xf32, #tpu.memory_space<hbm>> -> memref<1x10240xf32, #tpu.memory_space<hbm>>
      %dma_wait3A_24 = tpu.memref_squeeze %dma_wait3A_23 : memref<1x10240xf32, #tpu.memory_space<hbm>> -> memref<10240xf32, #tpu.memory_space<hbm>>
      tpu.wait_dma2 semaphore(%run_scoped3A : memref<!tpu.dma_semaphore, #tpu.memory_space<semaphore_mem>>) src(%arg7 : memref<10240xf32, #tpu.memory_space<vmem>>) dst(%dma_wait3A_24 : memref<10240xf32, #tpu.memory_space<hbm>>)
      tpu.yield
    }) : () -> ()
    return
  }
}

module attributes {stable_mosaic.version = 14 : i64} {
  func.func @body(%arg0: i32, %arg1: memref<1000x128xf32, #tpu.memory_space<vmem>>, %arg2: memref<128x128xf32, #tpu.memory_space<vmem>>, %arg3: memref<1000x32xf32, #tpu.memory_space<vmem>>, %arg4: memref<1000x128xf32, #tpu.memory_space<vmem>>, %arg5: memref<1000x1xf32, #tpu.memory_space<vmem>>) attributes {dimension_semantics = [#tpu.dimension_semantics<arbitrary>], iteration_bounds = array<i64: 10>, scalar_prefetch = 0 : i64, scratch_operands = 0 : i64, tpu.core_type = #tpu.core_type<tc>, window_params = [{transform_indices = @transform_0, window_bounds = array<i64: 1000, 128>}, {pipeline_mode = #tpu.pipeline_mode<synchronous>, transform_indices = @transform_1, window_bounds = array<i64: 128, 128>}, {transform_indices = @transform_2, window_bounds = array<i64: 1000, 32>}, {transform_indices = @transform_3, window_bounds = array<i64: 1000, 128>}, {transform_indices = @transform_4, window_bounds = array<i64: 1000, 1>}]} {
    %broadcast_in_dim3A = arith.constant 1.000000e+00 : f32
    %broadcast_in_dim3A_0 = vector.broadcast %broadcast_in_dim3A : f32 to vector<32x1xf32>
    %get3A = arith.constant 0 : index
    %get3A_1 = arith.constant 0 : index
    %get3A_2 = vector.load %arg3[%get3A, %get3A_1] : memref<1000x32xf32, #tpu.memory_space<vmem>>, vector<1000x32xf32>
    %dot_general3A = arith.constant dense<0.000000e+00> : vector<1000x1xf32>
    %dot_general3A_3 = tpu.matmul %get3A_2, %broadcast_in_dim3A_0, %dot_general3A {dimension_numbers = #tpu.dot_dimension_numbers<[1], [0], [0], [1], [0, 0, 1, 1], [], []>, transpose_lhs_hint = false} : vector<1000x32xf32>, vector<32x1xf32>, vector<1000x1xf32> -> vector<1000x1xf32>
    %add3A = arith.constant 1.000000e+00 : f32
    %add3A_4 = vector.broadcast %add3A : f32 to vector<1000x1xf32>
    %add3A_5 = arith.addf %dot_general3A_3, %add3A_4 : vector<1000x1xf32>
    %max3A = arith.constant 1.000000e+00 : f32
    %max3A_6 = vector.broadcast %max3A : f32 to vector<1000x1xf32>
    %max3A_7 = arith.maximumf %add3A_5, %max3A_6 : vector<1000x1xf32>
    %rsqrt3A = math.rsqrt %max3A_7 : vector<1000x1xf32>
    %get3A_8 = arith.constant 0 : index
    %get3A_9 = arith.constant 0 : index
    %get3A_10 = vector.load %arg1[%get3A_8, %get3A_9] : memref<1000x128xf32, #tpu.memory_space<vmem>>, vector<1000x128xf32>
    %get3A_11 = arith.constant 0 : index
    %get3A_12 = arith.constant 0 : index
    %get3A_13 = vector.load %arg2[%get3A_11, %get3A_12] : memref<128x128xf32, #tpu.memory_space<vmem>>, vector<128x128xf32>
    %dot_general3A_14 = arith.constant dense<0.000000e+00> : vector<1000x128xf32>
    %dot_general3A_15 = tpu.matmul %get3A_10, %get3A_13, %dot_general3A_14 {dimension_numbers = #tpu.dot_dimension_numbers<[1], [0], [0], [1], [0, 0, 1, 1], [], []>, transpose_lhs_hint = false} : vector<1000x128xf32>, vector<128x128xf32>, vector<1000x128xf32> -> vector<1000x128xf32>
    %mul3A = vector.broadcast %rsqrt3A : vector<1000x1xf32> to vector<1000x128xf32>
    %mul3A_16 = arith.mulf %mul3A, %dot_general3A_15 : vector<1000x128xf32>
    %swap3A = arith.constant 0 : index
    %swap3A_17 = arith.constant 0 : index
    %swap3A_18 = vector.load %arg4[%swap3A, %swap3A_17] : memref<1000x128xf32, #tpu.memory_space<vmem>>, vector<1000x128xf32>
    tpu.vector_store %arg4[%swap3A, %swap3A_17], %mul3A_16 {strides = array<i32>} : memref<1000x128xf32, #tpu.memory_space<vmem>>, vector<1000x128xf32>,
    %swap3A_19 = arith.constant 0 : index
    %swap3A_20 = arith.constant 0 : index
    %swap3A_21 = vector.load %arg5[%swap3A_19, %swap3A_20] : memref<1000x1xf32, #tpu.memory_space<vmem>>, vector<1000x1xf32>
    tpu.vector_store %arg5[%swap3A_19, %swap3A_20], %rsqrt3A {strides = array<i32>} : memref<1000x1xf32, #tpu.memory_space<vmem>>, vector<1000x1xf32>,
    return
  }
  func.func @transform_0(%arg0: i32) -> (i32, i32) {
    %c0_i32 = arith.constant 0 : i32
    %c0_i32_0 = arith.constant 0 : i32
    return %arg0, %c0_i32 : i32, i32
  }
  func.func @transform_1(%arg0: i32) -> (i32, i32) {
    %c0_i32 = arith.constant 0 : i32
    %c0_i32_0 = arith.constant 0 : i32
    %c0_i32_1 = arith.constant 0 : i32
    return %c0_i32, %c0_i32_0 : i32, i32
  }
  func.func @transform_2(%arg0: i32) -> (i32, i32) {
    %c0_i32 = arith.constant 0 : i32
    %c0_i32_0 = arith.constant 0 : i32
    return %arg0, %c0_i32 : i32, i32
  }
  func.func @transform_3(%arg0: i32) -> (i32, i32) {
    %c0_i32 = arith.constant 0 : i32
    %c0_i32_0 = arith.constant 0 : i32
    return %arg0, %c0_i32 : i32, i32
  }
  func.func @transform_4(%arg0: i32) -> (i32, i32) {
    %c0_i32 = arith.constant 0 : i32
    %c0_i32_0 = arith.constant 0 : i32
    return %arg0, %c0_i32 : i32, i32
  }
}

module attributes {stable_mosaic.version = 14 : i64} {
  func.func @body(%arg0: i32, %arg1: memref<1000x128xf32, #tpu.memory_space<vmem>>, %arg2: memref<1000x128xf32, #tpu.memory_space<vmem>>, %arg3: memref<1000x128xf32, #tpu.memory_space<vmem>>, %arg4: memref<1000x1xf32, #tpu.memory_space<vmem>>, %arg5: memref<1x128xf32, #tpu.memory_space<vmem>>, %arg6: memref<128x128xf32, #tpu.memory_space<vmem>>, %arg7: memref<1000x128xf32, #tpu.memory_space<vmem>>) attributes {dimension_semantics = [#tpu.dimension_semantics<arbitrary>], iteration_bounds = array<i64: 10>, scalar_prefetch = 0 : i64, scratch_operands = 0 : i64, tpu.core_type = #tpu.core_type<tc>, window_params = [{transform_indices = @transform_0, window_bounds = array<i64: 1000, 128>}, {transform_indices = @transform_1, window_bounds = array<i64: 1000, 128>}, {transform_indices = @transform_2, window_bounds = array<i64: 1000, 128>}, {transform_indices = @transform_3, window_bounds = array<i64: 1000, 1>}, {pipeline_mode = #tpu.pipeline_mode<synchronous>, transform_indices = @transform_4, window_bounds = array<i64: 1, 128>}, {pipeline_mode = #tpu.pipeline_mode<synchronous>, transform_indices = @transform_5, window_bounds = array<i64: 128, 128>}, {transform_indices = @transform_6, window_bounds = array<i64: 1000, 128>}]} {
    %get3A = arith.constant 0 : index
    %get3A_0 = arith.constant 0 : index
    %get3A_1 = vector.load %arg1[%get3A, %get3A_0] : memref<1000x128xf32, #tpu.memory_space<vmem>>, vector<1000x128xf32>
    %get3A_2 = arith.constant 0 : index
    %get3A_3 = arith.constant 0 : index
    %get3A_4 = vector.load %arg2[%get3A_2, %get3A_3] : memref<1000x128xf32, #tpu.memory_space<vmem>>, vector<1000x128xf32>
    %add3A = arith.addf %get3A_1, %get3A_4 : vector<1000x128xf32>
    %get3A_5 = arith.constant 0 : index
    %get3A_6 = arith.constant 0 : index
    %get3A_7 = vector.load %arg3[%get3A_5, %get3A_6] : memref<1000x128xf32, #tpu.memory_space<vmem>>, vector<1000x128xf32>
    %add3A_8 = arith.addf %add3A, %get3A_7 : vector<1000x128xf32>
    %get3A_9 = arith.constant 0 : index
    %get3A_10 = arith.constant 0 : index
    %get3A_11 = vector.load %arg4[%get3A_9, %get3A_10] : memref<1000x1xf32, #tpu.memory_space<vmem>>, vector<1000x1xf32>
    %mul3A = vector.broadcast %get3A_11 : vector<1000x1xf32> to vector<1000x128xf32>
    %mul3A_12 = arith.mulf %mul3A, %add3A_8 : vector<1000x128xf32>
    %get3A_13 = arith.constant 0 : index
    %get3A_14 = arith.constant 0 : index
    %get3A_15 = vector.load %arg5[%get3A_13, %get3A_14] : memref<1x128xf32, #tpu.memory_space<vmem>>, vector<1x128xf32>
    %add3A_16 = vector.broadcast %get3A_15 : vector<1x128xf32> to vector<1000x128xf32>
    %add3A_17 = arith.addf %mul3A_12, %add3A_16 : vector<1000x128xf32>
    %max3A = arith.constant 0.000000e+00 : f32
    %max3A_18 = vector.broadcast %max3A : f32 to vector<1000x128xf32>
    %max3A_19 = arith.maximumf %add3A_17, %max3A_18 : vector<1000x128xf32>
    %get3A_20 = arith.constant 0 : index
    %get3A_21 = arith.constant 0 : index
    %get3A_22 = vector.load %arg6[%get3A_20, %get3A_21] : memref<128x128xf32, #tpu.memory_space<vmem>>, vector<128x128xf32>
    %dot_general3A = arith.constant dense<0.000000e+00> : vector<1000x128xf32>
    %dot_general3A_23 = tpu.matmul %max3A_19, %get3A_22, %dot_general3A {dimension_numbers = #tpu.dot_dimension_numbers<[1], [0], [0], [1], [0, 0, 1, 1], [], []>, transpose_lhs_hint = false} : vector<1000x128xf32>, vector<128x128xf32>, vector<1000x128xf32> -> vector<1000x128xf32>
    %get3A_24 = arith.constant 0 : index
    %get3A_25 = arith.constant 0 : index
    %get3A_26 = vector.load %arg4[%get3A_24, %get3A_25] : memref<1000x1xf32, #tpu.memory_space<vmem>>, vector<1000x1xf32>
    %mul3A_27 = vector.broadcast %get3A_26 : vector<1000x1xf32> to vector<1000x128xf32>
    %mul3A_28 = arith.mulf %mul3A_27, %dot_general3A_23 : vector<1000x128xf32>
    %swap3A = arith.constant 0 : index
    %swap3A_29 = arith.constant 0 : index
    %swap3A_30 = vector.load %arg7[%swap3A, %swap3A_29] : memref<1000x128xf32, #tpu.memory_space<vmem>>, vector<1000x128xf32>
    tpu.vector_store %arg7[%swap3A, %swap3A_29], %mul3A_28 {strides = array<i32>} : memref<1000x128xf32, #tpu.memory_space<vmem>>, vector<1000x128xf32>,
    return
  }
  func.func @transform_0(%arg0: i32) -> (i32, i32) {
    %c0_i32 = arith.constant 0 : i32
    %c0_i32_0 = arith.constant 0 : i32
    return %arg0, %c0_i32 : i32, i32
  }
  func.func @transform_1(%arg0: i32) -> (i32, i32) {
    %c0_i32 = arith.constant 0 : i32
    %c0_i32_0 = arith.constant 0 : i32
    return %arg0, %c0_i32 : i32, i32
  }
  func.func @transform_2(%arg0: i32) -> (i32, i32) {
    %c0_i32 = arith.constant 0 : i32
    %c0_i32_0 = arith.constant 0 : i32
    return %arg0, %c0_i32 : i32, i32
  }
  func.func @transform_3(%arg0: i32) -> (i32, i32) {
    %c0_i32 = arith.constant 0 : i32
    %c0_i32_0 = arith.constant 0 : i32
    return %arg0, %c0_i32 : i32, i32
  }
  func.func @transform_4(%arg0: i32) -> (i32, i32) {
    %c0_i32 = arith.constant 0 : i32
    %c0_i32_0 = arith.constant 0 : i32
    %c0_i32_1 = arith.constant 0 : i32
    return %c0_i32, %c0_i32_0 : i32, i32
  }
  func.func @transform_5(%arg0: i32) -> (i32, i32) {
    %c0_i32 = arith.constant 0 : i32
    %c0_i32_0 = arith.constant 0 : i32
    %c0_i32_1 = arith.constant 0 : i32
    return %c0_i32, %c0_i32_0 : i32, i32
  }
  func.func @transform_6(%arg0: i32) -> (i32, i32) {
    %c0_i32 = arith.constant 0 : i32
    %c0_i32_0 = arith.constant 0 : i32
    return %arg0, %c0_i32 : i32, i32
  }
}

module attributes {stable_mosaic.version = 14 : i64} {
  func.func @body(%arg0: i32, %arg1: memref<1000x128xf32, #tpu.memory_space<vmem>>, %arg2: memref<1000x128xf32, #tpu.memory_space<vmem>>, %arg3: memref<1000x128xf32, #tpu.memory_space<vmem>>, %arg4: memref<1000x1xf32, #tpu.memory_space<vmem>>, %arg5: memref<1x128xf32, #tpu.memory_space<vmem>>, %arg6: memref<1000x40xf32, #tpu.memory_space<vmem>>) attributes {dimension_semantics = [#tpu.dimension_semantics<arbitrary>], iteration_bounds = array<i64: 10>, scalar_prefetch = 0 : i64, scratch_operands = 0 : i64, tpu.core_type = #tpu.core_type<tc>, window_params = [{transform_indices = @transform_0, window_bounds = array<i64: 1000, 128>}, {transform_indices = @transform_1, window_bounds = array<i64: 1000, 128>}, {transform_indices = @transform_2, window_bounds = array<i64: 1000, 128>}, {transform_indices = @transform_3, window_bounds = array<i64: 1000, 1>}, {pipeline_mode = #tpu.pipeline_mode<synchronous>, transform_indices = @transform_4, window_bounds = array<i64: 1, 128>}, {transform_indices = @transform_5, window_bounds = array<i64: 1000, 40>}]} {
    %get3A = arith.constant 0 : index
    %get3A_0 = arith.constant 0 : index
    %get3A_1 = vector.load %arg4[%get3A, %get3A_0] : memref<1000x1xf32, #tpu.memory_space<vmem>>, vector<1000x1xf32>
    %get3A_2 = arith.constant 0 : index
    %get3A_3 = arith.constant 0 : index
    %get3A_4 = vector.load %arg1[%get3A_2, %get3A_3] : memref<1000x128xf32, #tpu.memory_space<vmem>>, vector<1000x128xf32>
    %get3A_5 = arith.constant 0 : index
    %get3A_6 = arith.constant 0 : index
    %get3A_7 = vector.load %arg2[%get3A_5, %get3A_6] : memref<1000x128xf32, #tpu.memory_space<vmem>>, vector<1000x128xf32>
    %add3A = arith.addf %get3A_4, %get3A_7 : vector<1000x128xf32>
    %get3A_8 = arith.constant 0 : index
    %get3A_9 = arith.constant 0 : index
    %get3A_10 = vector.load %arg3[%get3A_8, %get3A_9] : memref<1000x128xf32, #tpu.memory_space<vmem>>, vector<1000x128xf32>
    %add3A_11 = arith.addf %add3A, %get3A_10 : vector<1000x128xf32>
    %mul3A = vector.broadcast %get3A_1 : vector<1000x1xf32> to vector<1000x128xf32>
    %mul3A_12 = arith.mulf %mul3A, %add3A_11 : vector<1000x128xf32>
    %get3A_13 = arith.constant 0 : index
    %get3A_14 = arith.constant 0 : index
    %get3A_15 = vector.load %arg5[%get3A_13, %get3A_14] : memref<1x128xf32, #tpu.memory_space<vmem>>, vector<1x128xf32>
    %add3A_16 = vector.broadcast %get3A_15 : vector<1x128xf32> to vector<1000x128xf32>
    %add3A_17 = arith.addf %mul3A_12, %add3A_16 : vector<1000x128xf32>
    %slice3A = vector.extract_strided_slice %add3A_17 {offsets = [0, 0], sizes = [1000, 40], strides = [1, 1]} : vector<1000x128xf32> to vector<1000x40xf32>
    %swap3A = arith.constant 0 : index
    %swap3A_18 = arith.constant 0 : index
    %swap3A_19 = vector.load %arg6[%swap3A, %swap3A_18] : memref<1000x40xf32, #tpu.memory_space<vmem>>, vector<1000x40xf32>
    tpu.vector_store %arg6[%swap3A, %swap3A_18], %slice3A {strides = array<i32>} : memref<1000x40xf32, #tpu.memory_space<vmem>>, vector<1000x40xf32>,
    return
  }
  func.func @transform_0(%arg0: i32) -> (i32, i32) {
    %c0_i32 = arith.constant 0 : i32
    %c0_i32_0 = arith.constant 0 : i32
    return %arg0, %c0_i32 : i32, i32
  }
  func.func @transform_1(%arg0: i32) -> (i32, i32) {
    %c0_i32 = arith.constant 0 : i32
    %c0_i32_0 = arith.constant 0 : i32
    return %arg0, %c0_i32 : i32, i32
  }
  func.func @transform_2(%arg0: i32) -> (i32, i32) {
    %c0_i32 = arith.constant 0 : i32
    %c0_i32_0 = arith.constant 0 : i32
    return %arg0, %c0_i32 : i32, i32
  }
  func.func @transform_3(%arg0: i32) -> (i32, i32) {
    %c0_i32 = arith.constant 0 : i32
    %c0_i32_0 = arith.constant 0 : i32
    return %arg0, %c0_i32 : i32, i32
  }
  func.func @transform_4(%arg0: i32) -> (i32, i32) {
    %c0_i32 = arith.constant 0 : i32
    %c0_i32_0 = arith.constant 0 : i32
    %c0_i32_1 = arith.constant 0 : i32
    return %c0_i32, %c0_i32_0 : i32, i32
  }
  func.func @transform_5(%arg0: i32) -> (i32, i32) {
    %c0_i32 = arith.constant 0 : i32
    %c0_i32_0 = arith.constant 0 : i32
    return %arg0, %c0_i32 : i32, i32
  }
}

</mosaic_0001>

<sc_bundles>
// kernel: kernel.11.cloned.1.call-start
scs
__scs_entry_jumppad:
0x0: {  	(pc) =	sbr.rel $0x88, $3  }
0x1: {  	(tag) =	ssettag $0x0;
	lr =	simm.s32 $0x1  }
0x2: {  	[smem:$0x3F9B] =	sst lr;
	_ =	strace $0xD0000000  }
0x3: {  	_ = 	snop  }
0x4: {  	_ = 	snop  }
0x5: {  	_ = 	snop  }
0x6: {  	_ = 	snop  }
0x7: {  	_ = 	snop  }
__scs_overlays_trampoline_lowered:
0x8: {  	[smem:$0x3FAA] =	sst s0  }
0x9: {  	[smem:$0x3FAB] =	sst s1  }
0xa: {  	[smem:$0x3FAC] =	sst s2  }
0xb: {  	[smem:$0x3FAD] =	sst s3  }
0xc: {  	[smem:$0x3FAE] =	sst s4  }
0xd: {  	[smem:$0x3FAF] =	sst s5  }
0xe: {  	[smem:$0x3FB0] =	sst s6  }
0xf: {  	[smem:$0x3FB1] =	sst s7  }
0x10: {  	[smem:$0x3FB2] =	sst s8  }
0x11: {  	[smem:$0x3FB3] =	sst s9;
	s0 =	simm.s32 @!p0 $0x0  }
0x12: {  	s1 =	sld [smem:$0x3F99];
	s0 =	simm.s32 @p0 $0x1  }
0x13: {  	[smem:$0x3FB4] =	sst s0;
	s0 =	simm.s32 @!p1 $0x0  }
0x14: {  	s2 =	sld [smem:$0x3F98];
	s0 =	simm.s32 @p1 $0x1  }
0x15: {  	[smem:$0x3FB5] =	sst s0;
	s0 =	simm.s32 @!p2 $0x0  }
0x16: {  	s3 =	sld [smem:$0x3FDB];
	s0 =	simm.s32 @p2 $0x1  }
0x17: {  	s4 =	simm.s32 $0x1BF5;
	[smem:$0x3FB7] =	sst s0  }
0x18: {  	s0 =	sld [smem:$0x3F9A];
	_ =	swait.ge [sflag:s4], $0x0  }
0x19: {  	s7 =	sld [smem:$0x3F9B]  }
0x1a: {  	s8 =	sadd.s32 $0xFFFFE003, lr  }
0x1b: {  	s9 =	sadd.s32 $0xFFFFFEF7, lr;
	s5 =	simm.s32 $0xFFFFFFFF;
	p2 =	slt.u32 s8, $0xFFFFF086  }
0x1c: {  	p1 =	slt.u32 s9, $0xF7A;
	s5 =	simm.s32 @!p2 $0x0  }
0x1d: {  	s5 =	simm.s32 @p1 $0x1;
	p0 =	seq.s32 s7, s2  }
0x1e: {  	s7 =	smul.u32 @!p0 $0xF7A, s2;
	p2 =	seq.s32 @!p0 s5, $0x0  }
0x1f: {  	s9 =	smul.u32 $0xF7A, s1;
	s8 =	simm.s32 @!p0 $0x1BF5;
	p2 =	por !p2, p0  }
0x20: {  	[sflag:s8] =	ssyncset.s32 @!p0 $0xFFFFF086;
	s6 =	sadd.s32 @!p0 s3, s7;
	s7 =	simm.s32 @!p0 $0x108  }
0x21: {  	s3 =	sadd.s32 s3, s9;
	s6 =	sadd.s32 @!p0 $0x88, s6;
	s7 =	simm.s32 @p2 $0x1082  }
0x22: {  	[simem:s7], [sflag:s8] =	dma.local @!p0 [hbm:s6], $0xF7A  }
0x23: {  	s9 =	sor.u32 $0xD0000000, s2;
	s6 =	simm.s32 $0x108;
	_ =	swait.ge @!p0 [sflag:s8], $0x0  }
0x24: {  	s3 =	sadd.s32 $0x88, s3;
	s6 =	simm.s32 @!p1 $0x1082;
	[sflag:s4] =	ssyncset.s32 $0xFFFFF086  }
0x25: {  	[simem:s6], [sflag:s4] =	dma.local [hbm:s3], $0xF7A  }
0x26: {  	[smem:$0x3F9B] =	sst s1;
	(tag) =	ssettag s2;
	_ =	strace s9  }
0x27: {  	s1 =	sld [smem:$0x3FAB]  }
0x28: {  	s2 =	sld [smem:$0x3FAC]  }
0x29: {  	s4 =	sld [smem:$0x3FAE]  }
0x2a: {  	p0 =	seq.s32 s5, $0x0;
	s5 =	sld [smem:$0x3FAF]  }
0x2b: {  	s6 =	sld [smem:$0x3FB0]  }
0x2c: {  	s7 =	sld [smem:$0x3FB1]  }
0x2d: {  	s3 =	simm.s32 $0x108;
	s8 =	sld [smem:$0x3FB2]  }
0x2e: {  	s3 =	simm.s32 @!p0 $0x1082;
	s9 =	sld [smem:$0x3FB3]  }
0x2f: {  	lr =	sadd.s32 s0, s3;
	s0 =	sld [smem:$0x3FAA]  }
0x30: {  	s3 =	sld [smem:$0x3FAD]  }
0x31: {  	[smem:$0x3FB6] =	sst s10  }
0x32: {  	s10 =	sld [smem:$0x3FB4];
	_ =	sdelay $0x3  }
0x33: {  	p0 =	seq.s32 s10, $0x1;
	s10 =	sld [smem:$0x3FB6];
	_ =	sdelay $0x3  }
0x34: {  	[smem:$0x3FB6] =	sst s10  }
0x35: {  	s10 =	sld [smem:$0x3FB5];
	_ =	sdelay $0x3  }
0x36: {  	p1 =	seq.s32 s10, $0x1;
	s10 =	sld [smem:$0x3FB6];
	_ =	sdelay $0x3  }
0x37: {  	[smem:$0x3FB6] =	sst s10  }
0x38: {  	s10 =	sld [smem:$0x3FB7]  }
0x39: {  	_ = 	snop;
	(pc) =	sbr.ind lr, $3  }
0x3a: {  	_ = 	snop  }
0x3b: {  	_ = 	snop  }
0x3c: {  	p2 =	seq.s32 s10, $0x1;
	s10 =	sld [smem:$0x3FB6]  }
0x3d: {  	_ =	shalt  }
0x3e: {  	_ =	shalt  }
0x3f: {  	_ =	shalt  }
0x40: {  	_ =	shalt  }
0x41: {  	_ =	shalt  }
0x42: {  	_ =	shalt  }
0x43: {  	_ =	shalt  }
0x44: {  	_ =	shalt  }
0x45: {  	_ =	shalt  }
0x46: {  	_ =	shalt  }
0x47: {  	_ =	shalt  }
0x48: {  	_ =	shalt  }
0x49: {  	_ =	shalt  }
0x4a: {  	_ =	shalt  }
0x4b: {  	_ =	shalt  }
0x4c: {  	_ =	shalt  }
0x4d: {  	_ =	shalt  }
0x4e: {  	_ =	shalt  }
0x4f: {  	_ =	shalt  }
0x50: {  	_ =	shalt  }
0x51: {  	_ =	shalt  }
0x52: {  	_ =	shalt  }
0x53: {  	_ =	shalt  }
0x54: {  	_ =	shalt  }
0x55: {  	_ =	shalt  }
0x56: {  	_ =	shalt  }
0x57: {  	_ =	shalt  }
0x58: {  	_ =	shalt  }
0x59: {  	_ =	shalt  }
0x5a: {  	_ =	shalt  }
0x5b: {  	_ =	shalt  }
0x5c: {  	_ =	shalt  }
0x5d: {  	_ =	shalt  }
0x5e: {  	_ =	shalt  }
0x5f: {  	_ =	shalt  }
0x60: {  	_ =	shalt  }
0x61: {  	_ =	shalt  }
0x62: {  	_ =	shalt  }
0x63: {  	_ =	shalt  }
0x64: {  	_ =	shalt  }
0x65: {  	_ =	shalt  }
0x66: {  	_ =	shalt  }
0x67: {  	_ =	shalt  }
0x68: {  	_ =	shalt  }
0x69: {  	_ =	shalt  }
0x6a: {  	_ =	shalt  }
0x6b: {  	_ =	shalt  }
0x6c: {  	_ =	shalt  }
0x6d: {  	_ =	shalt  }
0x6e: {  	_ =	shalt  }
0x6f: {  	_ =	shalt  }
0x70: {  	_ =	shalt  }
0x71: {  	_ =	shalt  }
0x72: {  	_ =	shalt  }
0x73: {  	_ =	shalt  }
0x74: {  	_ =	shalt  }
0x75: {  	_ =	shalt  }
0x76: {  	_ =	shalt  }
0x77: {  	_ =	shalt  }
0x78: {  	_ =	shalt  }
0x79: {  	_ =	shalt  }
0x7a: {  	_ =	shalt  }
0x7b: {  	_ =	shalt  }
0x7c: {  	_ =	shalt  }
0x7d: {  	_ =	shalt  }
0x7e: {  	_ =	shalt  }
0x7f: {  	_ =	shalt  }
0x80: {  	_ =	shalt  }
0x81: {  	_ =	shalt  }
0x82: {  	_ =	shalt  }
0x83: {  	_ =	shalt  }
0x84: {  	_ =	shalt  }
0x85: {  	_ =	shalt  }
0x86: {  	_ =	shalt  }
0x87: {  	_ =	shalt  }
.Lfunc_end0:
.L_simem_size_0:
called_computation.1_lowered:
.L_overlay_start_0:
0x88: {  	s2 =	sld [smem:$0x3FD9]  }
0x89: {  	s3 =	sld [smem:$0x3FFE];
	_ =	sdelay $0x1  }
0x8a: {  	s1 =	srdreg.scid  }
0x8b: {  	s0 =	sand.u32 $0x1, s1  }
0x8c: {  	s16 =	sshll.u32 s0, $0xA;
	s2 =	sadd.s32 s3, s2  }
0x8d: {  	s2 =	sadd.s32 s2, s16  }
0x8e: {  	[smem:$0x3FC2] =	sst s2  }
0x8f: {  	_ = 	snop  }
0x90: {  	(tm) =	ssettm $0x1  }
0x91: {  	s17 =	sld [smem:$0x3FFB];
	_ =	sdelay $0x3  }
0x92: {  	_ =	strace s17  }
0x93: {  	s2 =	sld [smem:$0x3FFC];
	_ =	sdelay $0x3  }
0x94: {  	_ =	strace s2  }
0x95: {  	s2 =	sld [smem:$0x3FFD];
	_ =	sdelay $0x3  }
0x96: {  	_ =	strace s2  }
0x97: {  	_ =	strace $0x8FFFFFFF  }
0x98: {  	s18 =	sld [smem:$0x3FDB];
	_ =	sdelay $0x1  }
0x99: {  	s19 =	simm.s32 $_scs_section_size  }
0x9a: {  	s4 =	simm.s32 $_size__tile_overlayer_lowered;
	s5 =	simm.s32 $_tile_overlayer_lowered  }
0x9b: {  	s22 =	simm.s32 $0x1BFF;
	s21 =	sshll.u32 s5, $0x1;
	s2 =	sadd.s32 s19, s18  }
0x9c: {  	s6 =	simm.s32 $0x0;
	s20 =	sshll.u32 s4, $0x1;
	s4 =	sadd.s32 s21, s2  }
0x9d: {  	[timem:s6], [sflag:s22] =	dma.local [hbm:s4], s20  }
0x9e: {  	_ =	swait.ge [sflag:s22], s20  }
0x9f: {  	s3 =	ssub.s32 $0x0, s20;
	[sflag:s22] =	ssyncset.done $0x0  }
0xa0: {  	[sflag:s22] =	ssyncadd.s32 s3;
	_ =	sdelay $0x1  }
0xa1: {  	s23 =	simm.s32 $0x1B8B  }
0xa2: {  	_ =	swait.ge [sflag:s23], $0x1  }
0xa3: {  	[sflag:s23] =	ssyncset.done $0x0  }
0xa4: {  	s25 =	simm.s32 $0x1B8E;
	s24 =	sld [smem:$0x3FFE];
	[sflag:s23] =	ssyncadd.s32 $0xFFFFFFFF  }
0xa5: {  	s26 =	simm.s32 $execute0_lowered;
	[smem:$0x3FD2] =	sst s25  }
0xa6: {  	s4 =	sshll.u32 s26, $0x1;
	_ =	strace $0x80000049;
	[dreg:$0x1] =	wrdreg $0xFFFFFFFF  }
0xa7: {  	s28 =	simm.s32 $_size_execute0_lowered;
	s2 =	sadd.s32 s2, s4;
	[dreg:$0x0] =	wrdreg $0x0  }
0xa8: {  	s4 =	sshll.u32 s28, $0x1;
	[dreg:$0x2] =	wrdreg s2  }
0xa9: {  	[dreg:$0x3] =	wrdreg s4  }
0xaa: {  	[dreg:$0x4] =	wrdreg $0xC0  }
0xab: {  	_ =	task [dreg:s6], $0x5FFFF  }
0xac: {  	[dreg:$0x1] =	wrdreg $0xFFFFFFFF  }
0xad: {  	[dreg:$0x0] =	wrdreg $0x60  }
0xae: {  	[dreg:$0x2] =	wrdreg s24  }
0xaf: {  	[dreg:$0x3] =	wrdreg $0x84000  }
0xb0: {  	[dreg:$0x4] =	wrdreg $0x9  }
0xb1: {  	_ =	task.clear_ibuf [dreg:s6], $0x5FFFF;
	_ =	strace $0x90000049  }
0xb2: {  	s29 =	simm.s32 $0x9;
	_ =	strace $0x8000004B  }
0xb3: {  	_ =	swait.ge [sflag:s29], $0x1  }
0xb4: {  	[sflag:s29] =	ssyncadd.s32 $0xFFFFFFFF  }
0xb5: {  	_ =	strace $0x9000004B  }
0xb6: {  	_ =	sfence  }
0xb7: {  	s30 =	sld [smem:$0x0];
	_ =	sdelay $0x2  }
0xb8: {  	s31 =	sshll.u32 s1, $0xD;
	s1 =	sshrl.u32 s1, $0x2  }
0xb9: {  	s3 =	sand.u32 $0x4000, s31;
	s1 =	sadd.s32 s1, s30  }
0xba: {  	s0 =	sor.u32 s3, s0;
	s1 =	sshll.u32 s1, $0x11  }
0xbb: {  	s0 =	sor.u32 s1, s0  }
0xbc: {  	s0 =	sadd.s32 $0x8F2B, s0  }
0xbd: {  	[sflag:s0] =	ssyncadd.remote.s32 $0x1  }
0xbe: {  	_ =	sfence.sel $0xFFFF  }
0xbf: {  	[dreg:$0x0] =	wrdreg $0xFFFFFFFF;
	(pc) =	sbr.abs _section_cstart, $3  }
0xc0: {  	[dreg:$0x1] =	wrdreg $0xFFFFFFFF  }
0xc1: {  	_ =	task.clear_ibuf [dreg:s6], $0x2FFFF;
	_ =	strace $0x9FFFFFFF  }
0xc2: {  	(tm) =	ssettm $0x7FFFFFFF  }
0xc3: {  	_ =	shalt  }
tec
execute0_lowered:
.L_overlay_start_1:
0x0: {  	(tag) =	ssettag $0x1  }
0x1: {  	s0 =	rddreg [dreg:$0x0]  }
0x2: {  	s2 =	rddreg [dreg:$0x1];
	s3 =	simm.s32 $0x0  }
0x3: {  	s11 =	stileid.u32;
	s4 =	srdreg.scid;
	s17 =	simm.s32 $0x7  }
0x4: {  	s18 =	simm.s32 $0x100;
	s28 =	simm.s32 $0x5;
	s29 =	simm.s32 $0x2  }
0x5: {  	s30 =	simm.s32 $0x180;
	s31 =	simm.s32 $0x6;
	s1 =	smul.u32 $0x14000, s11  }
0x6: {  	[smem:$0x7FF] =	sst s3;
	s5 =	sand.u32 $0x1, s4;
	s20 =	smul.u32 $0x50000, s11  }
0x7: {  	s4 =	sadd.s32 $0x21200, s0;
	s8 =	sadd.s32 $0xD200, s0;
	s22 =	smul.u32 $0x50, s11  }
0x8: {  	s23 =	sshll.u32 s11, $0x6;
	_ =	strace $0x8000004A;
	s7 =	smul.u32 $0x140000, s5  }
0x9: {  	s9 =	sshll.u32 s5, $0x4;
	s10 =	ssub.s32 $0x2, s5;
	s5 =	smul.u32 $0x500, s5  }
0xa: {  	s6 =	sshrl.u32 s1, $0x3;
	s19 =	sor.u32 s11, s9;
	s21 =	sshrl.u32 s10, $0x1  }
0xb: {  	s9 =	sshrl.u32 s20, $0x2;
	s20 =	simm.s32 $0x300;
	s6 =	sadd.s32 s6, s0  }
0xc: {  	s1 =	sadd.s32 s1, s7;
	s7 =	smul.u32 $0xA00, s19;
	s16 =	sadd.s32 s9, s2  }
0xd: {  	s5 =	sadd.s32 s22, s5;
	s19 =	simm.s32 $0x200;
	s22 =	simm.s32 $0x80  }
0xe: {  	s1 =	sshrl.u32 s1, $0x3;
	s6 =	sadd.s32 $0x48400, s6;
	s5 =	sshll.u32 s5, $0x5  }
0xf: {  	s16 =	sshrl.u32 s16, $0x3;
	s0 =	sadd.s32 s1, s0;
	s1 =	ssub.s32 s10, s21  }
0x10: {  	[dreg:$0x3] =	wrdreg s6;
	s6 =	sor.u32 $0x1C07, s23;
	s7 =	sadd.s32 s8, s7  }
0x11: {  	s12 =	sadd.s32 s5, s8;
	s21 =	simm.s32 $0x3;
	s23 =	simm.s32 $0x400  }
0x12: {  	s5 =	simm.s32 $0x0;
	s24 =	sadd.s32 $0x20, s7;
	s25 =	sadd.s32 $0x40, s7  }
.Ltmp0:
0x13: {  	s26 =	sadd.s32 $0x60, s7;
	[dreg:$0x4] =	wrdreg s24;
	(pc) =	sbr.rel .LBB2_1-.Ltmp0, $4  }
0x14: {  	s0 =	sadd.s32 $0x70400, s0;
	s13 =	smax.u32 s1, $0x1;
	[dreg:$0x5] =	wrdreg s25  }
0x15: {  	s14 =	sadd.s32 $0xC0, s12;
	s15 =	sadd.s32 $0x80, s12;
	[dreg:$0x6] =	wrdreg s26  }
0x16: {  	s1 =	simm.s32 $0x380;
	[dreg:$0x7] =	wrdreg s0;
	s24 =	simm.s32 $0x4  }
0x17: {  	s25 =	simm.s32 $0x4400;
	s26 =	simm.s32 $0x1;
	s0 =	simm.s32 $0x280  }
.LBB2_4:
0x18: {  	_ =	swait.ge [sflag:s29], $0x4000  }
0x19: {  	[sflag:s29] =	ssyncset.done $0x0  }
0x1a: {  	[sflag:s29] =	ssyncadd.s32 $0xFFFFC000  }
0x1b: {  	[spmem:s2] =	stream.indirect.scatter.add.f32 [tilespmem:s25], [sflag:$0x7], $0x80, s1, s22, $0xb8;
	[tilespmem:$0x1C400] =	vst v63  }
0x1c: {  	_ =	swait.ge [sflag:s17], $0x4000  }
0x1d: {  	[sflag:s17] =	ssyncset.done $0x0  }
0x1e: {  	s5 =	sadd.s32 $0x1, s5;
	[sflag:s17] =	ssyncadd.s32 $0xFFFFC000  }
0x1f: {  	p0 =	sne.s32 s5, s13;
	[bflag:$0x0] =	sbarrier.arrive $0xFFFF  }
.Ltmp1:
0x20: {  	s8 =	rddreg [dreg:$0x7];
	(pc) =	sbr.rel @!p0 .LBB2_5-.Ltmp1, $4  }
0x21: {  	[hbm:s8], [sflag:s6] =	dma.local [spmem:s16], $0x2800  }
0x22: {  	_ =	swait.ge [sflag:s17], $0x2800  }
0x23: {  	[sflag:s17] =	ssyncset.done $0x0  }
0x24: {  	[sflag:s17] =	ssyncadd.s32 $0xFFFFD800  }
.LBB2_1:
0x25: {  	s8 =	rddreg [dreg:$0x3]  }
0x26: {  	[spmem:s16], [sflag:s6] =	dma.local [hbm:s8], $0x2800  }
0x27: {  	_ =	swait.ge [sflag:s17], $0x2800  }
0x28: {  	[sflag:s17] =	ssyncset.done $0x0  }
0x29: {  	[sflag:s17] =	ssyncadd.s32 $0xFFFFD800  }
0x2a: {  	[bflag:$0x0] =	sbarrier.arrive $0xFFFF  }
0x2b: {  	[tilespmem:s3], [sflag:$0x3] =	stream.linear.gather [hbm4b:s7+s3], $0x100, $0x38;
	[tilespmem:$0x1C400] =	vst v63  }
0x2c: {  	s9 =	rddreg [dreg:$0x4]  }
0x2d: {  	[tilespmem:s18], [sflag:$0x4] =	stream.linear.gather [hbm4b:s9+s3], $0x100, $0x38;
	[tilespmem:$0x1C400] =	vst v63  }
0x2e: {  	s10 =	rddreg [dreg:$0x5]  }
0x2f: {  	[tilespmem:s19], [sflag:$0x5] =	stream.linear.gather [hbm4b:s10+s3], $0x100, $0x38;
	[tilespmem:$0x1C400] =	vst v63  }
0x30: {  	s11 =	rddreg [dreg:$0x6]  }
0x31: {  	[tilespmem:s20], [sflag:$0x6] =	stream.linear.gather [hbm4b:s11+s3], $0x100, $0x38;
	[tilespmem:$0x1C400] =	vst v63  }
0x32: {  	_ =	swait.ge [sflag:s21], $0x100  }
0x33: {  	[sflag:s21] =	ssyncset.done $0x0  }
0x34: {  	[sflag:s21] =	ssyncadd.s32 $0xFFFFFF00  }
0x35: {  	[tilespmem:s23], [sflag:$0x1] =	stream.indirect.gather [hbm4b:s4+s22], $0x80, s3, s22, $0xb8;
	[tilespmem:$0x1C400] =	vst v63  }
0x36: {  	_ =	swait.ge [sflag:s24], $0x100  }
0x37: {  	[sflag:s24] =	ssyncset.done $0x0  }
0x38: {  	s8 =	simm.s32 $0x0;
	[sflag:s24] =	ssyncadd.s32 $0xFFFFFF00  }
0x39: {  	[tilespmem:s25], [sflag:$0x2] =	stream.indirect.gather [hbm4b:s4+s22], $0x80, s18, s22, $0xb8;
	[tilespmem:$0x1C400] =	vst v63  }
.LBB2_2:
0x3a: {  	_ =	swait.ge [sflag:s26], $0x4000  }
0x3b: {  	[sflag:s26] =	ssyncset.done $0x0  }
0x3c: {  	[sflag:s26] =	ssyncadd.s32 $0xFFFFC000  }
0x3d: {  	[spmem:s2] =	stream.indirect.scatter.add.f32 [tilespmem:s23], [sflag:$0x7], $0x80, s22, s22, $0xb8;
	[tilespmem:$0x1C400] =	vst v63  }
0x3e: {  	_ =	swait.ge [sflag:s17], $0x4000  }
0x3f: {  	p0 =	seq.s32 s8, $0x980;
	[sflag:s17] =	ssyncset.done $0x0  }
0x40: {  	s9 =	sadd.s32 @!p0 s8, s15;
	s10 =	simm.s32 @!p0 $0x0;
	[sflag:s17] =	ssyncadd.s32 $0xFFFFC000  }
0x41: {  	[tilespmem:s10], [sflag:$0x3] =	stream.linear.gather @!p0 [hbm4b:s9+s10], $0x100, $0x38;
	[tilespmem:$0x1C400] =	vst v63  }
0x42: {  	_ =	swait.ge [sflag:s28], $0x100  }
0x43: {  	[sflag:s28] =	ssyncset.done $0x0  }
0x44: {  	[sflag:s28] =	ssyncadd.s32 $0xFFFFFF00  }
0x45: {  	[tilespmem:s23], [sflag:$0x1] =	stream.indirect.gather [hbm4b:s4+s22], $0x80, s19, s22, $0xb8;
	[tilespmem:$0x1C400] =	vst v63  }
0x46: {  	_ =	swait.ge [sflag:s29], $0x4000  }
0x47: {  	[sflag:s29] =	ssyncset.done $0x0  }
0x48: {  	[sflag:s29] =	ssyncadd.s32 $0xFFFFC000  }
0x49: {  	[spmem:s2] =	stream.indirect.scatter.add.f32 [tilespmem:s25], [sflag:$0x7], $0x80, s30, s22, $0xb8;
	[tilespmem:$0x1C400] =	vst v63  }
0x4a: {  	_ =	swait.ge [sflag:s17], $0x4000  }
0x4b: {  	s9 =	sadd.s32 @!p0 s8, s12;
	[sflag:s17] =	ssyncset.done $0x0  }
0x4c: {  	s11 =	simm.s32 @!p0 $0x100;
	s9 =	sadd.s32 @!p0 $0xA0, s9;
	[sflag:s17] =	ssyncadd.s32 $0xFFFFC000  }
0x4d: {  	[tilespmem:s11], [sflag:$0x4] =	stream.linear.gather @!p0 [hbm4b:s9+s10], $0x100, $0x38;
	[tilespmem:$0x1C400] =	vst v63  }
0x4e: {  	_ =	swait.ge [sflag:s31], $0x100  }
0x4f: {  	[sflag:s31] =	ssyncset.done $0x0  }
0x50: {  	[sflag:s31] =	ssyncadd.s32 $0xFFFFFF00  }
0x51: {  	[tilespmem:s25], [sflag:$0x2] =	stream.indirect.gather [hbm4b:s4+s22], $0x80, s20, s22, $0xb8;
	[tilespmem:$0x1C400] =	vst v63  }
0x52: {  	_ =	swait.ge [sflag:s26], $0x4000  }
0x53: {  	[sflag:s26] =	ssyncset.done $0x0  }
.Ltmp2:
0x54: {  	[sflag:s26] =	ssyncadd.s32 $0xFFFFC000;
	(pc) =	sbr.rel @p0 .LBB2_4-.Ltmp2, $4  }
0x55: {  	[spmem:s2] =	stream.indirect.scatter.add.f32 [tilespmem:s23], [sflag:$0x7], $0x80, s0, s22, $0xb8;
	[tilespmem:$0x1C400] =	vst v63  }
0x56: {  	_ =	swait.ge [sflag:s17], $0x4000  }
0x57: {  	[sflag:s17] =	ssyncset.done $0x0  }
0x58: {  	[sflag:s17] =	ssyncadd.s32 $0xFFFFC000  }
0x59: {  	s9 =	sadd.s32 s8, s14  }
0x5a: {  	[tilespmem:s19], [sflag:$0x5] =	stream.linear.gather [hbm4b:s9+s3], $0x100, $0x38;
	[tilespmem:$0x1C400] =	vst v63  }
0x5b: {  	_ =	swait.ge [sflag:s21], $0x100  }
0x5c: {  	[sflag:s21] =	ssyncset.done $0x0  }
0x5d: {  	[sflag:s21] =	ssyncadd.s32 $0xFFFFFF00  }
0x5e: {  	[tilespmem:s23], [sflag:$0x1] =	stream.indirect.gather [hbm4b:s4+s22], $0x80, s3, s22, $0xb8;
	[tilespmem:$0x1C400] =	vst v63  }
0x5f: {  	_ =	swait.ge [sflag:s29], $0x4000  }
0x60: {  	[sflag:s29] =	ssyncset.done $0x0  }
0x61: {  	[sflag:s29] =	ssyncadd.s32 $0xFFFFC000  }
0x62: {  	[spmem:s2] =	stream.indirect.scatter.add.f32 [tilespmem:s25], [sflag:$0x7], $0x80, s1, s22, $0xb8;
	[tilespmem:$0x1C400] =	vst v63  }
0x63: {  	_ =	swait.ge [sflag:s17], $0x4000  }
0x64: {  	s11 =	sadd.s32 s8, s12;
	[sflag:s17] =	ssyncset.done $0x0  }
0x65: {  	s9 =	sadd.s32 $0xE0, s11;
	[sflag:s17] =	ssyncadd.s32 $0xFFFFC000  }
0x66: {  	[tilespmem:s20], [sflag:$0x6] =	stream.linear.gather [hbm4b:s9+s3], $0x100, $0x38;
	[tilespmem:$0x1C400] =	vst v63  }
.Ltmp3:
0x67: {  	_ = 	snop;
	(pc) =	sbr.rel .LBB2_2-.Ltmp3, $4  }
0x68: {  	_ =	swait.ge [sflag:s24], $0x100  }
0x69: {  	[sflag:s24] =	ssyncset.done $0x0  }
0x6a: {  	s8 =	sadd.s32 $0x80, s8;
	[sflag:s24] =	ssyncadd.s32 $0xFFFFFF00  }
0x6b: {  	[tilespmem:s25], [sflag:$0x2] =	stream.indirect.gather [hbm4b:s4+s22], $0x80, s18, s22, $0xb8;
	[tilespmem:$0x1C400] =	vst v63  }
.LBB2_5:
0x6c: {  	_ =	sfence.sel $0x180000  }
0x6d: {  	[bflag:$0x0] =	sbarrier.arrive $0xFFFF  }
0x6e: {  	_ =	strace $0x9000004A  }
0x6f: {  	s0 =	stileid.u32;
	[bflag:$0x2] =	sbarrier.arrive $0xFFFF  }
0x70: {  	p0 =	sne.s32 s0, $0x0;
	s0 =	rddreg [dreg:$0x2]  }
0x71: {  	s0 =	sadd.s32 @!p0 $0x100000, s0  }
0x72: {  	[sflag:s0] =	ssyncadd.tile.s32 @!p0 $0x1;
	_ =	shalt  }
.Lfunc_end2:
_tile_overlayer_lowered:
.L_overlay_start_2:
0x73: {  	(tag) =	ssettag $0x2  }
0x74: {  	s0 =	rddreg [dreg:$0x0];
	s2 =	stileid.u32  }
0x75: {  	s1 =	rddreg [dreg:$0x1];
	p0 =	sne.s32 s2, $0x0  }
0x76: {  	s3 =	rddreg [dreg:$0x2];
	[bflag:$0x3] =	sbarrier.arrive $0xFFFF;
	s2 =	simm.s32 @!p0 $0x1C07  }
0x77: {  	[timem:s3], [sflag:s2] =	dma.local @!p0 [hbm:s0], s1  }
0x78: {  	s0 =	simm.s32 @!p0 $0x7  }
0x79: {  	_ =	swait.ge @!p0 [sflag:s0], s1  }
0x7a: {  	s1 =	ssub.s32 @!p0 $0x0, s1;
	[sflag:s0] =	ssyncset.done @!p0 $0x0  }
0x7b: {  	[sflag:s0] =	ssyncadd.s32 @!p0 s1  }
0x7c: {  	[bflag:$0x3] =	sbarrier.arrive $0xFFFF  }
0x7d: {  	_ =	shalt  }

// kernel: kernel.14.cloned.1.call-start
scs
__scs_entry_jumppad:
0x0: {  	(pc) =	sbr.rel $0x88, $3  }
0x1: {  	(tag) =	ssettag $0x0;
	lr =	simm.s32 $0x1  }
0x2: {  	[smem:$0x3F9B] =	sst lr;
	_ =	strace $0xD0000000  }
0x3: {  	_ = 	snop  }
0x4: {  	_ = 	snop  }
0x5: {  	_ = 	snop  }
0x6: {  	_ = 	snop  }
0x7: {  	_ = 	snop  }
__scs_overlays_trampoline_lowered:
0x8: {  	[smem:$0x3FAA] =	sst s0  }
0x9: {  	[smem:$0x3FAB] =	sst s1  }
0xa: {  	[smem:$0x3FAC] =	sst s2  }
0xb: {  	[smem:$0x3FAD] =	sst s3  }
0xc: {  	[smem:$0x3FAE] =	sst s4  }
0xd: {  	[smem:$0x3FAF] =	sst s5  }
0xe: {  	[smem:$0x3FB0] =	sst s6  }
0xf: {  	[smem:$0x3FB1] =	sst s7  }
0x10: {  	[smem:$0x3FB2] =	sst s8  }
0x11: {  	[smem:$0x3FB3] =	sst s9;
	s0 =	simm.s32 @!p0 $0x0  }
0x12: {  	s1 =	sld [smem:$0x3F99];
	s0 =	simm.s32 @p0 $0x1  }
0x13: {  	[smem:$0x3FB4] =	sst s0;
	s0 =	simm.s32 @!p1 $0x0  }
0x14: {  	s2 =	sld [smem:$0x3F98];
	s0 =	simm.s32 @p1 $0x1  }
0x15: {  	[smem:$0x3FB5] =	sst s0;
	s0 =	simm.s32 @!p2 $0x0  }
0x16: {  	s3 =	sld [smem:$0x3FDB];
	s0 =	simm.s32 @p2 $0x1  }
0x17: {  	s4 =	simm.s32 $0x1BF5;
	[smem:$0x3FB7] =	sst s0  }
0x18: {  	s0 =	sld [smem:$0x3F9A];
	_ =	swait.ge [sflag:s4], $0x0  }
0x19: {  	s7 =	sld [smem:$0x3F9B]  }
0x1a: {  	s8 =	sadd.s32 $0xFFFFE003, lr  }
0x1b: {  	s9 =	sadd.s32 $0xFFFFFEF7, lr;
	s5 =	simm.s32 $0xFFFFFFFF;
	p2 =	slt.u32 s8, $0xFFFFF086  }
0x1c: {  	p1 =	slt.u32 s9, $0xF7A;
	s5 =	simm.s32 @!p2 $0x0  }
0x1d: {  	s5 =	simm.s32 @p1 $0x1;
	p0 =	seq.s32 s7, s2  }
0x1e: {  	s7 =	smul.u32 @!p0 $0xF7A, s2;
	p2 =	seq.s32 @!p0 s5, $0x0  }
0x1f: {  	s9 =	smul.u32 $0xF7A, s1;
	s8 =	simm.s32 @!p0 $0x1BF5;
	p2 =	por !p2, p0  }
0x20: {  	[sflag:s8] =	ssyncset.s32 @!p0 $0xFFFFF086;
	s6 =	sadd.s32 @!p0 s3, s7;
	s7 =	simm.s32 @!p0 $0x108  }
0x21: {  	s3 =	sadd.s32 s3, s9;
	s6 =	sadd.s32 @!p0 $0x88, s6;
	s7 =	simm.s32 @p2 $0x1082  }
0x22: {  	[simem:s7], [sflag:s8] =	dma.local @!p0 [hbm:s6], $0xF7A  }
0x23: {  	s9 =	sor.u32 $0xD0000000, s2;
	s6 =	simm.s32 $0x108;
	_ =	swait.ge @!p0 [sflag:s8], $0x0  }
0x24: {  	s3 =	sadd.s32 $0x88, s3;
	s6 =	simm.s32 @!p1 $0x1082;
	[sflag:s4] =	ssyncset.s32 $0xFFFFF086  }
0x25: {  	[simem:s6], [sflag:s4] =	dma.local [hbm:s3], $0xF7A  }
0x26: {  	[smem:$0x3F9B] =	sst s1;
	(tag) =	ssettag s2;
	_ =	strace s9  }
0x27: {  	s1 =	sld [smem:$0x3FAB]  }
0x28: {  	s2 =	sld [smem:$0x3FAC]  }
0x29: {  	s4 =	sld [smem:$0x3FAE]  }
0x2a: {  	p0 =	seq.s32 s5, $0x0;
	s5 =	sld [smem:$0x3FAF]  }
0x2b: {  	s6 =	sld [smem:$0x3FB0]  }
0x2c: {  	s7 =	sld [smem:$0x3FB1]  }
0x2d: {  	s3 =	simm.s32 $0x108;
	s8 =	sld [smem:$0x3FB2]  }
0x2e: {  	s3 =	simm.s32 @!p0 $0x1082;
	s9 =	sld [smem:$0x3FB3]  }
0x2f: {  	lr =	sadd.s32 s0, s3;
	s0 =	sld [smem:$0x3FAA]  }
0x30: {  	s3 =	sld [smem:$0x3FAD]  }
0x31: {  	[smem:$0x3FB6] =	sst s10  }
0x32: {  	s10 =	sld [smem:$0x3FB4];
	_ =	sdelay $0x3  }
0x33: {  	p0 =	seq.s32 s10, $0x1;
	s10 =	sld [smem:$0x3FB6];
	_ =	sdelay $0x3  }
0x34: {  	[smem:$0x3FB6] =	sst s10  }
0x35: {  	s10 =	sld [smem:$0x3FB5];
	_ =	sdelay $0x3  }
0x36: {  	p1 =	seq.s32 s10, $0x1;
	s10 =	sld [smem:$0x3FB6];
	_ =	sdelay $0x3  }
0x37: {  	[smem:$0x3FB6] =	sst s10  }
0x38: {  	s10 =	sld [smem:$0x3FB7]  }
0x39: {  	_ = 	snop;
	(pc) =	sbr.ind lr, $3  }
0x3a: {  	_ = 	snop  }
0x3b: {  	_ = 	snop  }
0x3c: {  	p2 =	seq.s32 s10, $0x1;
	s10 =	sld [smem:$0x3FB6]  }
0x3d: {  	_ =	shalt  }
0x3e: {  	_ =	shalt  }
0x3f: {  	_ =	shalt  }
0x40: {  	_ =	shalt  }
0x41: {  	_ =	shalt  }
0x42: {  	_ =	shalt  }
0x43: {  	_ =	shalt  }
0x44: {  	_ =	shalt  }
0x45: {  	_ =	shalt  }
0x46: {  	_ =	shalt  }
0x47: {  	_ =	shalt  }
0x48: {  	_ =	shalt  }
0x49: {  	_ =	shalt  }
0x4a: {  	_ =	shalt  }
0x4b: {  	_ =	shalt  }
0x4c: {  	_ =	shalt  }
0x4d: {  	_ =	shalt  }
0x4e: {  	_ =	shalt  }
0x4f: {  	_ =	shalt  }
0x50: {  	_ =	shalt  }
0x51: {  	_ =	shalt  }
0x52: {  	_ =	shalt  }
0x53: {  	_ =	shalt  }
0x54: {  	_ =	shalt  }
0x55: {  	_ =	shalt  }
0x56: {  	_ =	shalt  }
0x57: {  	_ =	shalt  }
0x58: {  	_ =	shalt  }
0x59: {  	_ =	shalt  }
0x5a: {  	_ =	shalt  }
0x5b: {  	_ =	shalt  }
0x5c: {  	_ =	shalt  }
0x5d: {  	_ =	shalt  }
0x5e: {  	_ =	shalt  }
0x5f: {  	_ =	shalt  }
0x60: {  	_ =	shalt  }
0x61: {  	_ =	shalt  }
0x62: {  	_ =	shalt  }
0x63: {  	_ =	shalt  }
0x64: {  	_ =	shalt  }
0x65: {  	_ =	shalt  }
0x66: {  	_ =	shalt  }
0x67: {  	_ =	shalt  }
0x68: {  	_ =	shalt  }
0x69: {  	_ =	shalt  }
0x6a: {  	_ =	shalt  }
0x6b: {  	_ =	shalt  }
0x6c: {  	_ =	shalt  }
0x6d: {  	_ =	shalt  }
0x6e: {  	_ =	shalt  }
0x6f: {  	_ =	shalt  }
0x70: {  	_ =	shalt  }
0x71: {  	_ =	shalt  }
0x72: {  	_ =	shalt  }
0x73: {  	_ =	shalt  }
0x74: {  	_ =	shalt  }
0x75: {  	_ =	shalt  }
0x76: {  	_ =	shalt  }
0x77: {  	_ =	shalt  }
0x78: {  	_ =	shalt  }
0x79: {  	_ =	shalt  }
0x7a: {  	_ =	shalt  }
0x7b: {  	_ =	shalt  }
0x7c: {  	_ =	shalt  }
0x7d: {  	_ =	shalt  }
0x7e: {  	_ =	shalt  }
0x7f: {  	_ =	shalt  }
0x80: {  	_ =	shalt  }
0x81: {  	_ =	shalt  }
0x82: {  	_ =	shalt  }
0x83: {  	_ =	shalt  }
0x84: {  	_ =	shalt  }
0x85: {  	_ =	shalt  }
0x86: {  	_ =	shalt  }
0x87: {  	_ =	shalt  }
.Lfunc_end0:
.L_simem_size_0:
called_computation.2_lowered:
.L_overlay_start_0:
0x88: {  	s2 =	sld [smem:$0x3FD9]  }
0x89: {  	s3 =	sld [smem:$0x3FFE];
	_ =	sdelay $0x1  }
0x8a: {  	s1 =	srdreg.scid  }
0x8b: {  	s0 =	sand.u32 $0x1, s1  }
0x8c: {  	s16 =	sshll.u32 s0, $0xA;
	s2 =	sadd.s32 s3, s2  }
0x8d: {  	s2 =	sadd.s32 s2, s16  }
0x8e: {  	[smem:$0x3FC2] =	sst s2  }
0x8f: {  	_ = 	snop  }
0x90: {  	(tm) =	ssettm $0x1  }
0x91: {  	s17 =	sld [smem:$0x3FFB];
	_ =	sdelay $0x3  }
0x92: {  	_ =	strace s17  }
0x93: {  	s2 =	sld [smem:$0x3FFC];
	_ =	sdelay $0x3  }
0x94: {  	_ =	strace s2  }
0x95: {  	s2 =	sld [smem:$0x3FFD];
	_ =	sdelay $0x3  }
0x96: {  	_ =	strace s2  }
0x97: {  	_ =	strace $0x8FFFFFFF  }
0x98: {  	s18 =	sld [smem:$0x3FDB];
	_ =	sdelay $0x1  }
0x99: {  	s19 =	simm.s32 $_scs_section_size  }
0x9a: {  	s4 =	simm.s32 $_size__tile_overlayer_lowered;
	s5 =	simm.s32 $_tile_overlayer_lowered  }
0x9b: {  	s22 =	simm.s32 $0x1BFF;
	s21 =	sshll.u32 s5, $0x1;
	s2 =	sadd.s32 s19, s18  }
0x9c: {  	s6 =	simm.s32 $0x0;
	s20 =	sshll.u32 s4, $0x1;
	s4 =	sadd.s32 s21, s2  }
0x9d: {  	[timem:s6], [sflag:s22] =	dma.local [hbm:s4], s20  }
0x9e: {  	_ =	swait.ge [sflag:s22], s20  }
0x9f: {  	s3 =	ssub.s32 $0x0, s20;
	[sflag:s22] =	ssyncset.done $0x0  }
0xa0: {  	[sflag:s22] =	ssyncadd.s32 s3;
	_ =	sdelay $0x1  }
0xa1: {  	s23 =	simm.s32 $0x1B8B  }
0xa2: {  	_ =	swait.ge [sflag:s23], $0x1  }
0xa3: {  	[sflag:s23] =	ssyncset.done $0x0  }
0xa4: {  	s25 =	simm.s32 $0x1B8E;
	s24 =	sld [smem:$0x3FFE];
	[sflag:s23] =	ssyncadd.s32 $0xFFFFFFFF  }
0xa5: {  	s26 =	simm.s32 $execute0_lowered;
	[smem:$0x3FD2] =	sst s25  }
0xa6: {  	s4 =	sshll.u32 s26, $0x1;
	_ =	strace $0x8000004C;
	[dreg:$0x1] =	wrdreg $0xFFFFFFFF  }
0xa7: {  	s28 =	simm.s32 $_size_execute0_lowered;
	s2 =	sadd.s32 s2, s4;
	[dreg:$0x0] =	wrdreg $0x0  }
0xa8: {  	s4 =	sshll.u32 s28, $0x1;
	[dreg:$0x2] =	wrdreg s2  }
0xa9: {  	[dreg:$0x3] =	wrdreg s4  }
0xaa: {  	[dreg:$0x4] =	wrdreg $0xC0  }
0xab: {  	_ =	task [dreg:s6], $0x5FFFF  }
0xac: {  	[dreg:$0x1] =	wrdreg $0xFFFFFFFF  }
0xad: {  	[dreg:$0x0] =	wrdreg $0x60  }
0xae: {  	[dreg:$0x2] =	wrdreg s24  }
0xaf: {  	[dreg:$0x3] =	wrdreg $0x84000  }
0xb0: {  	[dreg:$0x4] =	wrdreg $0x9  }
0xb1: {  	_ =	task.clear_ibuf [dreg:s6], $0x5FFFF;
	_ =	strace $0x9000004C  }
0xb2: {  	s29 =	simm.s32 $0x9;
	_ =	strace $0x8000004E  }
0xb3: {  	_ =	swait.ge [sflag:s29], $0x1  }
0xb4: {  	[sflag:s29] =	ssyncadd.s32 $0xFFFFFFFF  }
0xb5: {  	_ =	strace $0x9000004E  }
0xb6: {  	_ =	sfence  }
0xb7: {  	s30 =	sld [smem:$0x0];
	_ =	sdelay $0x2  }
0xb8: {  	s31 =	sshll.u32 s1, $0xD;
	s1 =	sshrl.u32 s1, $0x2  }
0xb9: {  	s3 =	sand.u32 $0x4000, s31;
	s1 =	sadd.s32 s1, s30  }
0xba: {  	s0 =	sor.u32 s3, s0;
	s1 =	sshll.u32 s1, $0x11  }
0xbb: {  	s0 =	sor.u32 s1, s0  }
0xbc: {  	s0 =	sadd.s32 $0x8F2B, s0  }
0xbd: {  	[sflag:s0] =	ssyncadd.remote.s32 $0x1  }
0xbe: {  	_ =	sfence.sel $0xFFFF  }
0xbf: {  	[dreg:$0x0] =	wrdreg $0xFFFFFFFF;
	(pc) =	sbr.abs _section_cstart, $3  }
0xc0: {  	[dreg:$0x1] =	wrdreg $0xFFFFFFFF  }
0xc1: {  	_ =	task.clear_ibuf [dreg:s6], $0x2FFFF;
	_ =	strace $0x9FFFFFFF  }
0xc2: {  	(tm) =	ssettm $0x7FFFFFFF  }
0xc3: {  	_ =	shalt  }
tec
execute0_lowered:
.L_overlay_start_1:
0x0: {  	(tag) =	ssettag $0x1  }
0x1: {  	s0 =	rddreg [dreg:$0x0]  }
0x2: {  	s2 =	rddreg [dreg:$0x1];
	s3 =	simm.s32 $0x0  }
0x3: {  	s11 =	stileid.u32;
	s4 =	srdreg.scid;
	s17 =	simm.s32 $0x7  }
0x4: {  	s18 =	simm.s32 $0x100;
	s28 =	simm.s32 $0x5;
	s29 =	simm.s32 $0x2  }
0x5: {  	s30 =	simm.s32 $0x180;
	s31 =	simm.s32 $0x6;
	s1 =	smul.u32 $0x14000, s11  }
0x6: {  	[smem:$0x7FF] =	sst s3;
	s5 =	sand.u32 $0x1, s4;
	s20 =	smul.u32 $0x50000, s11  }
0x7: {  	s4 =	sadd.s32 $0x21200, s0;
	s8 =	sadd.s32 $0xD200, s0;
	s22 =	smul.u32 $0x50, s11  }
0x8: {  	s23 =	sshll.u32 s11, $0x6;
	_ =	strace $0x8000004D;
	s7 =	smul.u32 $0x140000, s5  }
0x9: {  	s9 =	sshll.u32 s5, $0x4;
	s10 =	ssub.s32 $0x2, s5;
	s5 =	smul.u32 $0x500, s5  }
0xa: {  	s6 =	sshrl.u32 s1, $0x3;
	s19 =	sor.u32 s11, s9;
	s21 =	sshrl.u32 s10, $0x1  }
0xb: {  	s9 =	sshrl.u32 s20, $0x2;
	s20 =	simm.s32 $0x300;
	s6 =	sadd.s32 s6, s0  }
0xc: {  	s1 =	sadd.s32 s1, s7;
	s7 =	smul.u32 $0xA00, s19;
	s16 =	sadd.s32 s9, s2  }
0xd: {  	s5 =	sadd.s32 s22, s5;
	s19 =	simm.s32 $0x200;
	s22 =	simm.s32 $0x80  }
0xe: {  	s1 =	sshrl.u32 s1, $0x3;
	s6 =	sadd.s32 $0x48400, s6;
	s5 =	sshll.u32 s5, $0x5  }
0xf: {  	s16 =	sshrl.u32 s16, $0x3;
	s0 =	sadd.s32 s1, s0;
	s1 =	ssub.s32 s10, s21  }
0x10: {  	[dreg:$0x3] =	wrdreg s6;
	s6 =	sor.u32 $0x1C07, s23;
	s7 =	sadd.s32 s8, s7  }
0x11: {  	s12 =	sadd.s32 s5, s8;
	s21 =	simm.s32 $0x3;
	s23 =	simm.s32 $0x400  }
0x12: {  	s5 =	simm.s32 $0x0;
	s24 =	sadd.s32 $0x20, s7;
	s25 =	sadd.s32 $0x40, s7  }
.Ltmp0:
0x13: {  	s26 =	sadd.s32 $0x60, s7;
	[dreg:$0x4] =	wrdreg s24;
	(pc) =	sbr.rel .LBB2_1-.Ltmp0, $4  }
0x14: {  	s0 =	sadd.s32 $0x70400, s0;
	s13 =	smax.u32 s1, $0x1;
	[dreg:$0x5] =	wrdreg s25  }
0x15: {  	s14 =	sadd.s32 $0xC0, s12;
	s15 =	sadd.s32 $0x80, s12;
	[dreg:$0x6] =	wrdreg s26  }
0x16: {  	s1 =	simm.s32 $0x380;
	[dreg:$0x7] =	wrdreg s0;
	s24 =	simm.s32 $0x4  }
0x17: {  	s25 =	simm.s32 $0x4400;
	s26 =	simm.s32 $0x1;
	s0 =	simm.s32 $0x280  }
.LBB2_4:
0x18: {  	_ =	swait.ge [sflag:s29], $0x4000  }
0x19: {  	[sflag:s29] =	ssyncset.done $0x0  }
0x1a: {  	[sflag:s29] =	ssyncadd.s32 $0xFFFFC000  }
0x1b: {  	[spmem:s2] =	stream.indirect.scatter.add.f32 [tilespmem:s25], [sflag:$0x7], $0x80, s1, s22, $0xb8;
	[tilespmem:$0x1C400] =	vst v63  }
0x1c: {  	_ =	swait.ge [sflag:s17], $0x4000  }
0x1d: {  	[sflag:s17] =	ssyncset.done $0x0  }
0x1e: {  	s5 =	sadd.s32 $0x1, s5;
	[sflag:s17] =	ssyncadd.s32 $0xFFFFC000  }
0x1f: {  	p0 =	sne.s32 s5, s13;
	[bflag:$0x0] =	sbarrier.arrive $0xFFFF  }
.Ltmp1:
0x20: {  	s8 =	rddreg [dreg:$0x7];
	(pc) =	sbr.rel @!p0 .LBB2_5-.Ltmp1, $4  }
0x21: {  	[hbm:s8], [sflag:s6] =	dma.local [spmem:s16], $0x2800  }
0x22: {  	_ =	swait.ge [sflag:s17], $0x2800  }
0x23: {  	[sflag:s17] =	ssyncset.done $0x0  }
0x24: {  	[sflag:s17] =	ssyncadd.s32 $0xFFFFD800  }
.LBB2_1:
0x25: {  	s8 =	rddreg [dreg:$0x3]  }
0x26: {  	[spmem:s16], [sflag:s6] =	dma.local [hbm:s8], $0x2800  }
0x27: {  	_ =	swait.ge [sflag:s17], $0x2800  }
0x28: {  	[sflag:s17] =	ssyncset.done $0x0  }
0x29: {  	[sflag:s17] =	ssyncadd.s32 $0xFFFFD800  }
0x2a: {  	[bflag:$0x0] =	sbarrier.arrive $0xFFFF  }
0x2b: {  	[tilespmem:s3], [sflag:$0x3] =	stream.linear.gather [hbm4b:s7+s3], $0x100, $0x38;
	[tilespmem:$0x1C400] =	vst v63  }
0x2c: {  	s9 =	rddreg [dreg:$0x4]  }
0x2d: {  	[tilespmem:s18], [sflag:$0x4] =	stream.linear.gather [hbm4b:s9+s3], $0x100, $0x38;
	[tilespmem:$0x1C400] =	vst v63  }
0x2e: {  	s10 =	rddreg [dreg:$0x5]  }
0x2f: {  	[tilespmem:s19], [sflag:$0x5] =	stream.linear.gather [hbm4b:s10+s3], $0x100, $0x38;
	[tilespmem:$0x1C400] =	vst v63  }
0x30: {  	s11 =	rddreg [dreg:$0x6]  }
0x31: {  	[tilespmem:s20], [sflag:$0x6] =	stream.linear.gather [hbm4b:s11+s3], $0x100, $0x38;
	[tilespmem:$0x1C400] =	vst v63  }
0x32: {  	_ =	swait.ge [sflag:s21], $0x100  }
0x33: {  	[sflag:s21] =	ssyncset.done $0x0  }
0x34: {  	[sflag:s21] =	ssyncadd.s32 $0xFFFFFF00  }
0x35: {  	[tilespmem:s23], [sflag:$0x1] =	stream.indirect.gather [hbm4b:s4+s22], $0x80, s3, s22, $0xb8;
	[tilespmem:$0x1C400] =	vst v63  }
0x36: {  	_ =	swait.ge [sflag:s24], $0x100  }
0x37: {  	[sflag:s24] =	ssyncset.done $0x0  }
0x38: {  	s8 =	simm.s32 $0x0;
	[sflag:s24] =	ssyncadd.s32 $0xFFFFFF00  }
0x39: {  	[tilespmem:s25], [sflag:$0x2] =	stream.indirect.gather [hbm4b:s4+s22], $0x80, s18, s22, $0xb8;
	[tilespmem:$0x1C400] =	vst v63  }
.LBB2_2:
0x3a: {  	_ =	swait.ge [sflag:s26], $0x4000  }
0x3b: {  	[sflag:s26] =	ssyncset.done $0x0  }
0x3c: {  	[sflag:s26] =	ssyncadd.s32 $0xFFFFC000  }
0x3d: {  	[spmem:s2] =	stream.indirect.scatter.add.f32 [tilespmem:s23], [sflag:$0x7], $0x80, s22, s22, $0xb8;
	[tilespmem:$0x1C400] =	vst v63  }
0x3e: {  	_ =	swait.ge [sflag:s17], $0x4000  }
0x3f: {  	p0 =	seq.s32 s8, $0x980;
	[sflag:s17] =	ssyncset.done $0x0  }
0x40: {  	s9 =	sadd.s32 @!p0 s8, s15;
	s10 =	simm.s32 @!p0 $0x0;
	[sflag:s17] =	ssyncadd.s32 $0xFFFFC000  }
0x41: {  	[tilespmem:s10], [sflag:$0x3] =	stream.linear.gather @!p0 [hbm4b:s9+s10], $0x100, $0x38;
	[tilespmem:$0x1C400] =	vst v63  }
0x42: {  	_ =	swait.ge [sflag:s28], $0x100  }
0x43: {  	[sflag:s28] =	ssyncset.done $0x0  }
0x44: {  	[sflag:s28] =	ssyncadd.s32 $0xFFFFFF00  }
0x45: {  	[tilespmem:s23], [sflag:$0x1] =	stream.indirect.gather [hbm4b:s4+s22], $0x80, s19, s22, $0xb8;
	[tilespmem:$0x1C400] =	vst v63  }
0x46: {  	_ =	swait.ge [sflag:s29], $0x4000  }
0x47: {  	[sflag:s29] =	ssyncset.done $0x0  }
0x48: {  	[sflag:s29] =	ssyncadd.s32 $0xFFFFC000  }
0x49: {  	[spmem:s2] =	stream.indirect.scatter.add.f32 [tilespmem:s25], [sflag:$0x7], $0x80, s30, s22, $0xb8;
	[tilespmem:$0x1C400] =	vst v63  }
0x4a: {  	_ =	swait.ge [sflag:s17], $0x4000  }
0x4b: {  	s9 =	sadd.s32 @!p0 s8, s12;
	[sflag:s17] =	ssyncset.done $0x0  }
0x4c: {  	s11 =	simm.s32 @!p0 $0x100;
	s9 =	sadd.s32 @!p0 $0xA0, s9;
	[sflag:s17] =	ssyncadd.s32 $0xFFFFC000  }
0x4d: {  	[tilespmem:s11], [sflag:$0x4] =	stream.linear.gather @!p0 [hbm4b:s9+s10], $0x100, $0x38;
	[tilespmem:$0x1C400] =	vst v63  }
0x4e: {  	_ =	swait.ge [sflag:s31], $0x100  }
0x4f: {  	[sflag:s31] =	ssyncset.done $0x0  }
0x50: {  	[sflag:s31] =	ssyncadd.s32 $0xFFFFFF00  }
0x51: {  	[tilespmem:s25], [sflag:$0x2] =	stream.indirect.gather [hbm4b:s4+s22], $0x80, s20, s22, $0xb8;
	[tilespmem:$0x1C400] =	vst v63  }
0x52: {  	_ =	swait.ge [sflag:s26], $0x4000  }
0x53: {  	[sflag:s26] =	ssyncset.done $0x0  }
.Ltmp2:
0x54: {  	[sflag:s26] =	ssyncadd.s32 $0xFFFFC000;
	(pc) =	sbr.rel @p0 .LBB2_4-.Ltmp2, $4  }
0x55: {  	[spmem:s2] =	stream.indirect.scatter.add.f32 [tilespmem:s23], [sflag:$0x7], $0x80, s0, s22, $0xb8;
	[tilespmem:$0x1C400] =	vst v63  }
0x56: {  	_ =	swait.ge [sflag:s17], $0x4000  }
0x57: {  	[sflag:s17] =	ssyncset.done $0x0  }
0x58: {  	[sflag:s17] =	ssyncadd.s32 $0xFFFFC000  }
0x59: {  	s9 =	sadd.s32 s8, s14  }
0x5a: {  	[tilespmem:s19], [sflag:$0x5] =	stream.linear.gather [hbm4b:s9+s3], $0x100, $0x38;
	[tilespmem:$0x1C400] =	vst v63  }
0x5b: {  	_ =	swait.ge [sflag:s21], $0x100  }
0x5c: {  	[sflag:s21] =	ssyncset.done $0x0  }
0x5d: {  	[sflag:s21] =	ssyncadd.s32 $0xFFFFFF00  }
0x5e: {  	[tilespmem:s23], [sflag:$0x1] =	stream.indirect.gather [hbm4b:s4+s22], $0x80, s3, s22, $0xb8;
	[tilespmem:$0x1C400] =	vst v63  }
0x5f: {  	_ =	swait.ge [sflag:s29], $0x4000  }
0x60: {  	[sflag:s29] =	ssyncset.done $0x0  }
0x61: {  	[sflag:s29] =	ssyncadd.s32 $0xFFFFC000  }
0x62: {  	[spmem:s2] =	stream.indirect.scatter.add.f32 [tilespmem:s25], [sflag:$0x7], $0x80, s1, s22, $0xb8;
	[tilespmem:$0x1C400] =	vst v63  }
0x63: {  	_ =	swait.ge [sflag:s17], $0x4000  }
0x64: {  	s11 =	sadd.s32 s8, s12;
	[sflag:s17] =	ssyncset.done $0x0  }
0x65: {  	s9 =	sadd.s32 $0xE0, s11;
	[sflag:s17] =	ssyncadd.s32 $0xFFFFC000  }
0x66: {  	[tilespmem:s20], [sflag:$0x6] =	stream.linear.gather [hbm4b:s9+s3], $0x100, $0x38;
	[tilespmem:$0x1C400] =	vst v63  }
.Ltmp3:
0x67: {  	_ = 	snop;
	(pc) =	sbr.rel .LBB2_2-.Ltmp3, $4  }
0x68: {  	_ =	swait.ge [sflag:s24], $0x100  }
0x69: {  	[sflag:s24] =	ssyncset.done $0x0  }
0x6a: {  	s8 =	sadd.s32 $0x80, s8;
	[sflag:s24] =	ssyncadd.s32 $0xFFFFFF00  }
0x6b: {  	[tilespmem:s25], [sflag:$0x2] =	stream.indirect.gather [hbm4b:s4+s22], $0x80, s18, s22, $0xb8;
	[tilespmem:$0x1C400] =	vst v63  }
.LBB2_5:
0x6c: {  	_ =	sfence.sel $0x180000  }
0x6d: {  	[bflag:$0x0] =	sbarrier.arrive $0xFFFF  }
0x6e: {  	_ =	strace $0x9000004D  }
0x6f: {  	s0 =	stileid.u32;
	[bflag:$0x2] =	sbarrier.arrive $0xFFFF  }
0x70: {  	p0 =	sne.s32 s0, $0x0;
	s0 =	rddreg [dreg:$0x2]  }
0x71: {  	s0 =	sadd.s32 @!p0 $0x100000, s0  }
0x72: {  	[sflag:s0] =	ssyncadd.tile.s32 @!p0 $0x1;
	_ =	shalt  }
.Lfunc_end2:
_tile_overlayer_lowered:
.L_overlay_start_2:
0x73: {  	(tag) =	ssettag $0x2  }
0x74: {  	s0 =	rddreg [dreg:$0x0];
	s2 =	stileid.u32  }
0x75: {  	s1 =	rddreg [dreg:$0x1];
	p0 =	sne.s32 s2, $0x0  }
0x76: {  	s3 =	rddreg [dreg:$0x2];
	[bflag:$0x3] =	sbarrier.arrive $0xFFFF;
	s2 =	simm.s32 @!p0 $0x1C07  }
0x77: {  	[timem:s3], [sflag:s2] =	dma.local @!p0 [hbm:s0], s1  }
0x78: {  	s0 =	simm.s32 @!p0 $0x7  }
0x79: {  	_ =	swait.ge @!p0 [sflag:s0], s1  }
0x7a: {  	s1 =	ssub.s32 @!p0 $0x0, s1;
	[sflag:s0] =	ssyncset.done @!p0 $0x0  }
0x7b: {  	[sflag:s0] =	ssyncadd.s32 @!p0 s1  }
0x7c: {  	[bflag:$0x3] =	sbarrier.arrive $0xFFFF  }
0x7d: {  	_ =	shalt  }

// kernel: kernel.8.cloned.1.call-start
scs
__scs_entry_jumppad:
0x0: {  	(pc) =	sbr.rel $0x88, $3  }
0x1: {  	(tag) =	ssettag $0x0;
	lr =	simm.s32 $0x1  }
0x2: {  	[smem:$0x3F9B] =	sst lr;
	_ =	strace $0xD0000000  }
0x3: {  	_ = 	snop  }
0x4: {  	_ = 	snop  }
0x5: {  	_ = 	snop  }
0x6: {  	_ = 	snop  }
0x7: {  	_ = 	snop  }
__scs_overlays_trampoline_lowered:
0x8: {  	[smem:$0x3FAA] =	sst s0  }
0x9: {  	[smem:$0x3FAB] =	sst s1  }
0xa: {  	[smem:$0x3FAC] =	sst s2  }
0xb: {  	[smem:$0x3FAD] =	sst s3  }
0xc: {  	[smem:$0x3FAE] =	sst s4  }
0xd: {  	[smem:$0x3FAF] =	sst s5  }
0xe: {  	[smem:$0x3FB0] =	sst s6  }
0xf: {  	[smem:$0x3FB1] =	sst s7  }
0x10: {  	[smem:$0x3FB2] =	sst s8  }
0x11: {  	[smem:$0x3FB3] =	sst s9;
	s0 =	simm.s32 @!p0 $0x0  }
0x12: {  	s1 =	sld [smem:$0x3F99];
	s0 =	simm.s32 @p0 $0x1  }
0x13: {  	[smem:$0x3FB4] =	sst s0;
	s0 =	simm.s32 @!p1 $0x0  }
0x14: {  	s2 =	sld [smem:$0x3F98];
	s0 =	simm.s32 @p1 $0x1  }
0x15: {  	[smem:$0x3FB5] =	sst s0;
	s0 =	simm.s32 @!p2 $0x0  }
0x16: {  	s3 =	sld [smem:$0x3FDB];
	s0 =	simm.s32 @p2 $0x1  }
0x17: {  	s4 =	simm.s32 $0x1BF5;
	[smem:$0x3FB7] =	sst s0  }
0x18: {  	s0 =	sld [smem:$0x3F9A];
	_ =	swait.ge [sflag:s4], $0x0  }
0x19: {  	s7 =	sld [smem:$0x3F9B]  }
0x1a: {  	s8 =	sadd.s32 $0xFFFFE003, lr  }
0x1b: {  	s9 =	sadd.s32 $0xFFFFFEF7, lr;
	s5 =	simm.s32 $0xFFFFFFFF;
	p2 =	slt.u32 s8, $0xFFFFF086  }
0x1c: {  	p1 =	slt.u32 s9, $0xF7A;
	s5 =	simm.s32 @!p2 $0x0  }
0x1d: {  	s5 =	simm.s32 @p1 $0x1;
	p0 =	seq.s32 s7, s2  }
0x1e: {  	s7 =	smul.u32 @!p0 $0xF7A, s2;
	p2 =	seq.s32 @!p0 s5, $0x0  }
0x1f: {  	s9 =	smul.u32 $0xF7A, s1;
	s8 =	simm.s32 @!p0 $0x1BF5;
	p2 =	por !p2, p0  }
0x20: {  	[sflag:s8] =	ssyncset.s32 @!p0 $0xFFFFF086;
	s6 =	sadd.s32 @!p0 s3, s7;
	s7 =	simm.s32 @!p0 $0x108  }
0x21: {  	s3 =	sadd.s32 s3, s9;
	s6 =	sadd.s32 @!p0 $0x88, s6;
	s7 =	simm.s32 @p2 $0x1082  }
0x22: {  	[simem:s7], [sflag:s8] =	dma.local @!p0 [hbm:s6], $0xF7A  }
0x23: {  	s9 =	sor.u32 $0xD0000000, s2;
	s6 =	simm.s32 $0x108;
	_ =	swait.ge @!p0 [sflag:s8], $0x0  }
0x24: {  	s3 =	sadd.s32 $0x88, s3;
	s6 =	simm.s32 @!p1 $0x1082;
	[sflag:s4] =	ssyncset.s32 $0xFFFFF086  }
0x25: {  	[simem:s6], [sflag:s4] =	dma.local [hbm:s3], $0xF7A  }
0x26: {  	[smem:$0x3F9B] =	sst s1;
	(tag) =	ssettag s2;
	_ =	strace s9  }
0x27: {  	s1 =	sld [smem:$0x3FAB]  }
0x28: {  	s2 =	sld [smem:$0x3FAC]  }
0x29: {  	s4 =	sld [smem:$0x3FAE]  }
0x2a: {  	p0 =	seq.s32 s5, $0x0;
	s5 =	sld [smem:$0x3FAF]  }
0x2b: {  	s6 =	sld [smem:$0x3FB0]  }
0x2c: {  	s7 =	sld [smem:$0x3FB1]  }
0x2d: {  	s3 =	simm.s32 $0x108;
	s8 =	sld [smem:$0x3FB2]  }
0x2e: {  	s3 =	simm.s32 @!p0 $0x1082;
	s9 =	sld [smem:$0x3FB3]  }
0x2f: {  	lr =	sadd.s32 s0, s3;
	s0 =	sld [smem:$0x3FAA]  }
0x30: {  	s3 =	sld [smem:$0x3FAD]  }
0x31: {  	[smem:$0x3FB6] =	sst s10  }
0x32: {  	s10 =	sld [smem:$0x3FB4];
	_ =	sdelay $0x3  }
0x33: {  	p0 =	seq.s32 s10, $0x1;
	s10 =	sld [smem:$0x3FB6];
	_ =	sdelay $0x3  }
0x34: {  	[smem:$0x3FB6] =	sst s10  }
0x35: {  	s10 =	sld [smem:$0x3FB5];
	_ =	sdelay $0x3  }
0x36: {  	p1 =	seq.s32 s10, $0x1;
	s10 =	sld [smem:$0x3FB6];
	_ =	sdelay $0x3  }
0x37: {  	[smem:$0x3FB6] =	sst s10  }
0x38: {  	s10 =	sld [smem:$0x3FB7]  }
0x39: {  	_ = 	snop;
	(pc) =	sbr.ind lr, $3  }
0x3a: {  	_ = 	snop  }
0x3b: {  	_ = 	snop  }
0x3c: {  	p2 =	seq.s32 s10, $0x1;
	s10 =	sld [smem:$0x3FB6]  }
0x3d: {  	_ =	shalt  }
0x3e: {  	_ =	shalt  }
0x3f: {  	_ =	shalt  }
0x40: {  	_ =	shalt  }
0x41: {  	_ =	shalt  }
0x42: {  	_ =	shalt  }
0x43: {  	_ =	shalt  }
0x44: {  	_ =	shalt  }
0x45: {  	_ =	shalt  }
0x46: {  	_ =	shalt  }
0x47: {  	_ =	shalt  }
0x48: {  	_ =	shalt  }
0x49: {  	_ =	shalt  }
0x4a: {  	_ =	shalt  }
0x4b: {  	_ =	shalt  }
0x4c: {  	_ =	shalt  }
0x4d: {  	_ =	shalt  }
0x4e: {  	_ =	shalt  }
0x4f: {  	_ =	shalt  }
0x50: {  	_ =	shalt  }
0x51: {  	_ =	shalt  }
0x52: {  	_ =	shalt  }
0x53: {  	_ =	shalt  }
0x54: {  	_ =	shalt  }
0x55: {  	_ =	shalt  }
0x56: {  	_ =	shalt  }
0x57: {  	_ =	shalt  }
0x58: {  	_ =	shalt  }
0x59: {  	_ =	shalt  }
0x5a: {  	_ =	shalt  }
0x5b: {  	_ =	shalt  }
0x5c: {  	_ =	shalt  }
0x5d: {  	_ =	shalt  }
0x5e: {  	_ =	shalt  }
0x5f: {  	_ =	shalt  }
0x60: {  	_ =	shalt  }
0x61: {  	_ =	shalt  }
0x62: {  	_ =	shalt  }
0x63: {  	_ =	shalt  }
0x64: {  	_ =	shalt  }
0x65: {  	_ =	shalt  }
0x66: {  	_ =	shalt  }
0x67: {  	_ =	shalt  }
0x68: {  	_ =	shalt  }
0x69: {  	_ =	shalt  }
0x6a: {  	_ =	shalt  }
0x6b: {  	_ =	shalt  }
0x6c: {  	_ =	shalt  }
0x6d: {  	_ =	shalt  }
0x6e: {  	_ =	shalt  }
0x6f: {  	_ =	shalt  }
0x70: {  	_ =	shalt  }
0x71: {  	_ =	shalt  }
0x72: {  	_ =	shalt  }
0x73: {  	_ =	shalt  }
0x74: {  	_ =	shalt  }
0x75: {  	_ =	shalt  }
0x76: {  	_ =	shalt  }
0x77: {  	_ =	shalt  }
0x78: {  	_ =	shalt  }
0x79: {  	_ =	shalt  }
0x7a: {  	_ =	shalt  }
0x7b: {  	_ =	shalt  }
0x7c: {  	_ =	shalt  }
0x7d: {  	_ =	shalt  }
0x7e: {  	_ =	shalt  }
0x7f: {  	_ =	shalt  }
0x80: {  	_ =	shalt  }
0x81: {  	_ =	shalt  }
0x82: {  	_ =	shalt  }
0x83: {  	_ =	shalt  }
0x84: {  	_ =	shalt  }
0x85: {  	_ =	shalt  }
0x86: {  	_ =	shalt  }
0x87: {  	_ =	shalt  }
.Lfunc_end0:
.L_simem_size_0:
called_computation_lowered:
.L_overlay_start_0:
0x88: {  	s2 =	sld [smem:$0x3FD9]  }
0x89: {  	s3 =	sld [smem:$0x3FFE];
	_ =	sdelay $0x1  }
0x8a: {  	s1 =	srdreg.scid  }
0x8b: {  	s0 =	sand.u32 $0x1, s1  }
0x8c: {  	s17 =	sshll.u32 s0, $0xA;
	s2 =	sadd.s32 s3, s2  }
0x8d: {  	s2 =	sadd.s32 s2, s17  }
0x8e: {  	[smem:$0x3FC2] =	sst s2  }
0x8f: {  	_ = 	snop  }
0x90: {  	s2 =	sld [smem:$0x3FD0];
	(tm) =	ssettm $0x1  }
0x91: {  	s18 =	sld [smem:$0x3FFB];
	_ =	sdelay $0x3  }
0x92: {  	_ =	strace s18  }
0x93: {  	s3 =	sld [smem:$0x3FFC];
	_ =	sdelay $0x3  }
0x94: {  	_ =	strace s3  }
0x95: {  	s3 =	sld [smem:$0x3FFD];
	_ =	sdelay $0x3  }
0x96: {  	_ =	strace s3  }
0x97: {  	_ =	strace $0x8FFFFFFF  }
0x98: {  	s19 =	sld [smem:$0x3FDB];
	_ =	sdelay $0x1  }
0x99: {  	s4 =	simm.s32 $_scs_section_size  }
0x9a: {  	s5 =	simm.s32 $_size__tile_overlayer_lowered;
	s6 =	simm.s32 $_tile_overlayer_lowered  }
0x9b: {  	s22 =	simm.s32 $0x1BFF;
	s21 =	sshll.u32 s6, $0x1;
	s3 =	sadd.s32 s4, s19  }
0x9c: {  	s7 =	simm.s32 $0x0;
	s20 =	sshll.u32 s5, $0x1;
	s5 =	sadd.s32 s21, s3  }
0x9d: {  	[timem:s7], [sflag:s22] =	dma.local [hbm:s5], s20  }
0x9e: {  	_ =	swait.ge [sflag:s22], s20  }
0x9f: {  	s4 =	ssub.s32 $0x0, s20;
	[sflag:s22] =	ssyncset.done $0x0  }
0xa0: {  	[sflag:s22] =	ssyncadd.s32 s4;
	_ =	sdelay $0x1  }
0xa1: {  	s23 =	simm.s32 $0x1B8B  }
0xa2: {  	_ =	swait.ge [sflag:s23], $0x1  }
0xa3: {  	[sflag:s23] =	ssyncset.done $0x0  }
0xa4: {  	s25 =	simm.s32 $0x1B8E;
	s24 =	sld [smem:$0x3FFE];
	[sflag:s23] =	ssyncadd.s32 $0xFFFFFFFF  }
0xa5: {  	s26 =	simm.s32 $execute0_lowered;
	[smem:$0x3FD2] =	sst s25  }
0xa6: {  	s5 =	sshll.u32 s26, $0x1;
	_ =	strace $0x80000046;
	[dreg:$0x1] =	wrdreg $0xFFFFFFFF  }
0xa7: {  	s28 =	simm.s32 $_size_execute0_lowered;
	s3 =	sadd.s32 s3, s5;
	[dreg:$0x0] =	wrdreg $0x0  }
0xa8: {  	s5 =	sshll.u32 s28, $0x1;
	[dreg:$0x2] =	wrdreg s3  }
0xa9: {  	[dreg:$0x3] =	wrdreg s5  }
0xaa: {  	[dreg:$0x4] =	wrdreg $0xC0  }
0xab: {  	_ =	task [dreg:s7], $0x5FFFF  }
0xac: {  	[dreg:$0x1] =	wrdreg $0xFFFFFFFF  }
0xad: {  	[dreg:$0x0] =	wrdreg $0x60  }
0xae: {  	[dreg:$0x2] =	wrdreg s2  }
0xaf: {  	[dreg:$0x3] =	wrdreg s24  }
0xb0: {  	[dreg:$0x4] =	wrdreg $0x9  }
0xb1: {  	_ =	task.clear_ibuf [dreg:s7], $0x5FFFF;
	_ =	strace $0x90000046  }
0xb2: {  	s29 =	simm.s32 $0x9;
	_ =	strace $0x80000048  }
0xb3: {  	_ =	swait.ge [sflag:s29], $0x1  }
0xb4: {  	[sflag:s29] =	ssyncadd.s32 $0xFFFFFFFF  }
0xb5: {  	_ =	strace $0x90000048  }
0xb6: {  	_ =	sfence  }
0xb7: {  	s30 =	sld [smem:$0x0];
	_ =	sdelay $0x2  }
0xb8: {  	s31 =	sshll.u32 s1, $0xD;
	s1 =	sshrl.u32 s1, $0x2  }
0xb9: {  	s3 =	sand.u32 $0x4000, s31;
	s1 =	sadd.s32 s1, s30  }
0xba: {  	s0 =	sor.u32 s3, s0;
	s1 =	sshll.u32 s1, $0x11  }
0xbb: {  	s0 =	sor.u32 s1, s0  }
0xbc: {  	s0 =	sadd.s32 $0x8F2B, s0  }
0xbd: {  	[sflag:s0] =	ssyncadd.remote.s32 $0x1  }
0xbe: {  	_ =	sfence.sel $0xFFFF  }
0xbf: {  	[dreg:$0x0] =	wrdreg $0xFFFFFFFF;
	(pc) =	sbr.abs _section_cstart, $3  }
0xc0: {  	[dreg:$0x1] =	wrdreg $0xFFFFFFFF  }
0xc1: {  	_ =	task.clear_ibuf [dreg:s7], $0x2FFFF;
	_ =	strace $0x9FFFFFFF  }
0xc2: {  	(tm) =	ssettm $0x7FFFFFFF  }
0xc3: {  	_ =	shalt  }
tec
execute0_lowered:
.L_overlay_start_1:
0x0: {  	(tag) =	ssettag $0x1  }
0x1: {  	s9 =	rddreg [dreg:$0x0]  }
0x2: {  	s0 =	srdreg.scid;
	s5 =	rddreg [dreg:$0x1]  }
0x3: {  	s2 =	simm.s32 $0x0;
	s12 =	simm.s32 $0x80;
	s13 =	simm.s32 $0x1  }
0x4: {  	s14 =	simm.s32 $0x2;
	s15 =	simm.s32 $0x400;
	s16 =	simm.s32 $0x0  }
0x5: {  	s4 =	sand.u32 $0x1, s0;
	s0 =	stileid.u32;
	[smem:$0x7FF] =	sst s2  }
0x6: {  	s1 =	sshll.u32 s4, $0x4;
	s7 =	sshll.u32 s0, $0x7;
	s8 =	smul.u32 $0x28000, s4  }
0x7: {  	s10 =	ssub.s32 $0x2, s4;
	s29 =	smul.u32 $0x2800, s0;
	s3 =	sor.u32 s0, s1  }
0x8: {  	s1 =	rddreg [dreg:$0x2];
	s6 =	sshrl.u32 s3, $0x3;
	s26 =	smul.u32 $0x2800, s3  }
0x9: {  	s7 =	sand.u32 $0x380, s7;
	_ =	strace $0x80000047;
	s6 =	smul.u32 $0x14000, s6  }
0xa: {  	s30 =	sshrl.u32 s10, $0x1;
	s3 =	sadd.s32 $0x2C00, s5;
	s28 =	sshrl.u32 s26, $0x3  }
0xb: {  	s10 =	ssub.s32 s10, s30;
	s6 =	sor.u32 s7, s6;
	s4 =	sadd.s32 s9, s28  }
.Ltmp0:
0xc: {  	s7 =	sadd.s32 s29, s8;
	s6 =	sshrl.u32 s6, $0x3;
	(pc) =	sbr.rel .LBB2_1-.Ltmp0, $4  }
0xd: {  	s8 =	sor.u32 $0x180, s7;
	s11 =	sor.u32 $0x100, s7;
	s7 =	smax.u32 s10, $0x1  }
0xe: {  	s10 =	simm.s32 $0x100;
	s6 =	sadd.s32 s6, s5;
	s5 =	sadd.s32 $0x10, s4  }
0xf: {  	s8 =	sshrl.u32 s8, $0x3;
	s31 =	sshrl.u32 s11, $0x3;
	s11 =	simm.s32 $0x3  }
0x10: {  	s6 =	sadd.s32 $0x3200, s6;
	s8 =	sadd.s32 s8, s9;
	s9 =	sadd.s32 s31, s9  }
.LBB2_4:
0x11: {  	s16 =	sadd.s32 $0x1, s16  }
0x12: {  	p0 =	sne.s32 s16, s7  }
.Ltmp1:
0x13: {  	_ = 	snop;
	(pc) =	sbr.rel @!p0 .LBB2_5-.Ltmp1, $4  }
0x14: {  	[hbm4b:s6+s12] =	stream.strided.scatter [tilespmem:s10], [sflag:$0x3], $0x2800, s15, s12, $0x38;
	[tilespmem:$0x2900] =	vst v63  }
0x15: {  	_ =	swait.ge [sflag:s11], $0x2800  }
0x16: {  	[sflag:s11] =	ssyncset.done $0x0  }
0x17: {  	[sflag:s11] =	ssyncadd.s32 $0xFFFFD800  }
.LBB2_1:
0x18: {  	[tilespmem:s10], [sflag:$0x3] =	stream.linear.gather [hbm4b:s3+s2], $0x2800, $0x38;
	[tilespmem:$0x2900] =	vst v63  }
0x19: {  	_ =	swait.ge [sflag:s11], $0x2800  }
0x1a: {  	[sflag:s11] =	ssyncset.done $0x0  }
0x1b: {  	[sflag:s11] =	ssyncadd.s32 $0xFFFFD800  }
0x1c: {  	[tilespmem:s2], [sflag:$0x1] =	stream.linear.gather [hbm4b:s4+s2], $0x80, $0x38;
	[tilespmem:$0x2900] =	vst v63  }
0x1d: {  	s17 =	simm.s32 $0x0  }
0x1e: {  	[tilespmem:s12], [sflag:$0x2] =	stream.linear.gather [hbm4b:s5+s2], $0x80, $0x38;
	[tilespmem:$0x2900] =	vst v63  }
.LBB2_2:
0x1f: {  	_ =	swait.ge [sflag:s13], $0x80  }
0x20: {  	[sflag:s13] =	ssyncset.done $0x0  }
0x21: {  	[sflag:s13] =	ssyncadd.s32 $0xFFFFFF80  }
0x22: {  	v0 =	vld [tilespmem:$0x0];
	_ =	sdelay $0x4  }
0x23: {  	(xrf1) =	vunique.msk.u32 $0xffff, v0;
	_ =	sdelay $0xd  }
0x24: {  	_, v1, vm0 =	vpop (xrf1);
	_ =	sdelay $0x5  }
0x25: {  	v2 =	vld.idx.msk [tilespmem:v0+s10+$0x0], vm0;
	_ =	sdelay $0x2  }
0x26: {  	v1 =	vcvt.s32.f32 v1;
	_ =	sdelay $0x1  }
0x27: {  	v1 =	vadd.f32 v1, v2;
	_ =	sdelay $0x1  }
0x28: {  	[tilespmem:v0+s10+$0x0] =	vst.idx.msk vm0, v1  }
0x29: {  	v0 =	vld [tilespmem:$0x10];
	_ =	sdelay $0x4  }
0x2a: {  	(xrf1) =	vunique.msk.u32 $0xffff, v0;
	_ =	sdelay $0xd  }
0x2b: {  	_, v1, vm0 =	vpop (xrf1);
	_ =	sdelay $0x5  }
0x2c: {  	v48 =	vld.idx.msk [tilespmem:v0+s10+$0x0], vm0;
	_ =	sdelay $0x2  }
0x2d: {  	v1 =	vcvt.s32.f32 v1;
	_ =	sdelay $0x1  }
0x2e: {  	v1 =	vadd.f32 v1, v48;
	_ =	sdelay $0x1  }
0x2f: {  	[tilespmem:v0+s10+$0x0] =	vst.idx.msk vm0, v1  }
0x30: {  	v0 =	vld [tilespmem:$0x20];
	_ =	sdelay $0x4  }
0x31: {  	(xrf1) =	vunique.msk.u32 $0xffff, v0;
	_ =	sdelay $0xd  }
0x32: {  	_, v1, vm0 =	vpop (xrf1);
	_ =	sdelay $0x5  }
0x33: {  	v49 =	vld.idx.msk [tilespmem:v0+s10+$0x0], vm0;
	_ =	sdelay $0x2  }
0x34: {  	v1 =	vcvt.s32.f32 v1;
	_ =	sdelay $0x1  }
0x35: {  	v1 =	vadd.f32 v1, v49;
	_ =	sdelay $0x1  }
0x36: {  	[tilespmem:v0+s10+$0x0] =	vst.idx.msk vm0, v1  }
0x37: {  	v0 =	vld [tilespmem:$0x30];
	_ =	sdelay $0x4  }
0x38: {  	(xrf1) =	vunique.msk.u32 $0xffff, v0;
	_ =	sdelay $0xd  }
0x39: {  	_, v1, vm0 =	vpop (xrf1);
	_ =	sdelay $0x5  }
0x3a: {  	v50 =	vld.idx.msk [tilespmem:v0+s10+$0x0], vm0;
	_ =	sdelay $0x2  }
0x3b: {  	v1 =	vcvt.s32.f32 v1;
	_ =	sdelay $0x1  }
0x3c: {  	v1 =	vadd.f32 v1, v50;
	_ =	sdelay $0x1  }
0x3d: {  	[tilespmem:v0+s10+$0x0] =	vst.idx.msk vm0, v1  }
0x3e: {  	v0 =	vld [tilespmem:$0x40];
	_ =	sdelay $0x4  }
0x3f: {  	(xrf1) =	vunique.msk.u32 $0xffff, v0;
	_ =	sdelay $0xd  }
0x40: {  	_, v1, vm0 =	vpop (xrf1);
	_ =	sdelay $0x5  }
0x41: {  	v51 =	vld.idx.msk [tilespmem:v0+s10+$0x0], vm0;
	_ =	sdelay $0x2  }
0x42: {  	v1 =	vcvt.s32.f32 v1;
	_ =	sdelay $0x1  }
0x43: {  	v1 =	vadd.f32 v1, v51;
	_ =	sdelay $0x1  }
0x44: {  	[tilespmem:v0+s10+$0x0] =	vst.idx.msk vm0, v1  }
0x45: {  	v0 =	vld [tilespmem:$0x50];
	_ =	sdelay $0x4  }
0x46: {  	(xrf1) =	vunique.msk.u32 $0xffff, v0;
	_ =	sdelay $0xd  }
0x47: {  	_, v1, vm0 =	vpop (xrf1);
	_ =	sdelay $0x5  }
0x48: {  	v52 =	vld.idx.msk [tilespmem:v0+s10+$0x0], vm0;
	_ =	sdelay $0x2  }
0x49: {  	v1 =	vcvt.s32.f32 v1;
	_ =	sdelay $0x1  }
0x4a: {  	v1 =	vadd.f32 v1, v52;
	_ =	sdelay $0x1  }
0x4b: {  	[tilespmem:v0+s10+$0x0] =	vst.idx.msk vm0, v1  }
0x4c: {  	v0 =	vld [tilespmem:$0x60];
	_ =	sdelay $0x4  }
0x4d: {  	(xrf1) =	vunique.msk.u32 $0xffff, v0;
	_ =	sdelay $0xd  }
0x4e: {  	_, v1, vm0 =	vpop (xrf1);
	_ =	sdelay $0x5  }
0x4f: {  	v53 =	vld.idx.msk [tilespmem:v0+s10+$0x0], vm0;
	_ =	sdelay $0x2  }
0x50: {  	v1 =	vcvt.s32.f32 v1;
	_ =	sdelay $0x1  }
0x51: {  	v1 =	vadd.f32 v1, v53;
	_ =	sdelay $0x1  }
0x52: {  	[tilespmem:v0+s10+$0x0] =	vst.idx.msk vm0, v1  }
0x53: {  	v0 =	vld [tilespmem:$0x70];
	_ =	sdelay $0x4  }
0x54: {  	(xrf1) =	vunique.msk.u32 $0xffff, v0;
	_ =	sdelay $0xd  }
0x55: {  	_, v1, vm0 =	vpop (xrf1);
	_ =	sdelay $0x5  }
0x56: {  	v54 =	vld.idx.msk [tilespmem:v0+s10+$0x0], vm0;
	_ =	sdelay $0x2  }
0x57: {  	v1 =	vcvt.s32.f32 v1;
	_ =	sdelay $0x1  }
0x58: {  	v1 =	vadd.f32 v1, v54  }
0x59: {  	p0 =	seq.s32 s17, $0x4E0  }
0x5a: {  	s18 =	sadd.s32 @!p0 s17, s9;
	s19 =	simm.s32 @!p0 $0x0;
	[tilespmem:v0+s10+$0x0] =	vst.idx.msk vm0, v1  }
0x5b: {  	[tilespmem:s19], [sflag:$0x1] =	stream.linear.gather @!p0 [hbm4b:s18+s19], $0x80, $0x38;
	[tilespmem:$0x2900] =	vst v63  }
0x5c: {  	_ =	swait.ge [sflag:s14], $0x80  }
0x5d: {  	[sflag:s14] =	ssyncset.done $0x0  }
0x5e: {  	[sflag:s14] =	ssyncadd.s32 $0xFFFFFF80  }
0x5f: {  	v55 =	vld [tilespmem:$0x80];
	_ =	sdelay $0x4  }
0x60: {  	(xrf1) =	vunique.msk.u32 $0xffff, v55;
	_ =	sdelay $0xd  }
0x61: {  	_, v1, vm0 =	vpop (xrf1);
	_ =	sdelay $0x5  }
0x62: {  	v56 =	vld.idx.msk [tilespmem:v55+s10+$0x0], vm0;
	_ =	sdelay $0x2  }
0x63: {  	v1 =	vcvt.s32.f32 v1;
	_ =	sdelay $0x1  }
0x64: {  	v1 =	vadd.f32 v1, v56;
	_ =	sdelay $0x1  }
0x65: {  	[tilespmem:v55+s10+$0x0] =	vst.idx.msk vm0, v1  }
0x66: {  	v0 =	vld [tilespmem:$0x90];
	_ =	sdelay $0x4  }
0x67: {  	(xrf1) =	vunique.msk.u32 $0xffff, v0;
	_ =	sdelay $0xd  }
0x68: {  	_, v1, vm0 =	vpop (xrf1);
	_ =	sdelay $0x5  }
0x69: {  	v57 =	vld.idx.msk [tilespmem:v0+s10+$0x0], vm0;
	_ =	sdelay $0x2  }
0x6a: {  	v1 =	vcvt.s32.f32 v1;
	_ =	sdelay $0x1  }
0x6b: {  	v1 =	vadd.f32 v1, v57;
	_ =	sdelay $0x1  }
0x6c: {  	[tilespmem:v0+s10+$0x0] =	vst.idx.msk vm0, v1  }
0x6d: {  	v0 =	vld [tilespmem:$0xA0];
	_ =	sdelay $0x4  }
0x6e: {  	(xrf1) =	vunique.msk.u32 $0xffff, v0;
	_ =	sdelay $0xd  }
0x6f: {  	_, v1, vm0 =	vpop (xrf1);
	_ =	sdelay $0x5  }
0x70: {  	v58 =	vld.idx.msk [tilespmem:v0+s10+$0x0], vm0;
	_ =	sdelay $0x2  }
0x71: {  	v1 =	vcvt.s32.f32 v1;
	_ =	sdelay $0x1  }
0x72: {  	v1 =	vadd.f32 v1, v58;
	_ =	sdelay $0x1  }
0x73: {  	[tilespmem:v0+s10+$0x0] =	vst.idx.msk vm0, v1  }
0x74: {  	v0 =	vld [tilespmem:$0xB0];
	_ =	sdelay $0x4  }
0x75: {  	(xrf1) =	vunique.msk.u32 $0xffff, v0;
	_ =	sdelay $0xd  }
0x76: {  	_, v1, vm0 =	vpop (xrf1);
	_ =	sdelay $0x5  }
0x77: {  	v59 =	vld.idx.msk [tilespmem:v0+s10+$0x0], vm0;
	_ =	sdelay $0x2  }
0x78: {  	v1 =	vcvt.s32.f32 v1;
	_ =	sdelay $0x1  }
0x79: {  	v1 =	vadd.f32 v1, v59;
	_ =	sdelay $0x1  }
0x7a: {  	[tilespmem:v0+s10+$0x0] =	vst.idx.msk vm0, v1  }
0x7b: {  	v0 =	vld [tilespmem:$0xC0];
	_ =	sdelay $0x4  }
0x7c: {  	(xrf1) =	vunique.msk.u32 $0xffff, v0;
	_ =	sdelay $0xd  }
0x7d: {  	_, v1, vm0 =	vpop (xrf1);
	_ =	sdelay $0x5  }
0x7e: {  	v60 =	vld.idx.msk [tilespmem:v0+s10+$0x0], vm0;
	_ =	sdelay $0x2  }
0x7f: {  	v1 =	vcvt.s32.f32 v1;
	_ =	sdelay $0x1  }
0x80: {  	v1 =	vadd.f32 v1, v60;
	_ =	sdelay $0x1  }
0x81: {  	[tilespmem:v0+s10+$0x0] =	vst.idx.msk vm0, v1  }
0x82: {  	v0 =	vld [tilespmem:$0xD0];
	_ =	sdelay $0x4  }
0x83: {  	(xrf1) =	vunique.msk.u32 $0xffff, v0;
	_ =	sdelay $0xd  }
0x84: {  	_, v1, vm0 =	vpop (xrf1);
	_ =	sdelay $0x5  }
0x85: {  	v61 =	vld.idx.msk [tilespmem:v0+s10+$0x0], vm0;
	_ =	sdelay $0x2  }
0x86: {  	v1 =	vcvt.s32.f32 v1;
	_ =	sdelay $0x1  }
0x87: {  	v1 =	vadd.f32 v1, v61;
	_ =	sdelay $0x1  }
0x88: {  	[tilespmem:v0+s10+$0x0] =	vst.idx.msk vm0, v1  }
0x89: {  	v0 =	vld [tilespmem:$0xE0];
	_ =	sdelay $0x4  }
0x8a: {  	(xrf1) =	vunique.msk.u32 $0xffff, v0;
	_ =	sdelay $0xd  }
0x8b: {  	_, v1, vm0 =	vpop (xrf1);
	_ =	sdelay $0x5  }
0x8c: {  	v62 =	vld.idx.msk [tilespmem:v0+s10+$0x0], vm0;
	_ =	sdelay $0x2  }
0x8d: {  	v1 =	vcvt.s32.f32 v1;
	_ =	sdelay $0x1  }
0x8e: {  	v1 =	vadd.f32 v1, v62;
	_ =	sdelay $0x1  }
0x8f: {  	[tilespmem:v0+s10+$0x0] =	vst.idx.msk vm0, v1  }
0x90: {  	v0 =	vld [tilespmem:$0xF0];
	_ =	sdelay $0x4  }
0x91: {  	(xrf1) =	vunique.msk.u32 $0xffff, v0;
	_ =	sdelay $0xd  }
0x92: {  	_, v1, vm0 =	vpop (xrf1);
	_ =	sdelay $0x5  }
0x93: {  	v63 =	vld.idx.msk [tilespmem:v0+s10+$0x0], vm0;
	_ =	sdelay $0x2  }
.Ltmp2:
0x94: {  	v1 =	vcvt.s32.f32 v1;
	(pc) =	sbr.rel @p0 .LBB2_4-.Ltmp2, $3  }
0x95: {  	_ = 	snop  }
0x96: {  	v1 =	vadd.f32 v1, v63;
	_ =	sdelay $0x1  }
0x97: {  	[tilespmem:v0+s10+$0x0] =	vst.idx.msk vm0, v1  }
.Ltmp3:
0x98: {  	(pc) =	sbr.rel .LBB2_2-.Ltmp3, $3  }
0x99: {  	_ =	sdelay $0x1  }
0x9a: {  	s18 =	sadd.s32 s17, s8;
	s17 =	sadd.s32 $0x20, s17  }
0x9b: {  	[tilespmem:s12], [sflag:$0x2] =	stream.linear.gather [hbm4b:s18+s2], $0x80, $0x38;
	[tilespmem:$0x2900] =	vst v63  }
.LBB2_5:
0x9c: {  	_ =	sfence.sel $0x180000  }
0x9d: {  	[bflag:$0x0] =	sbarrier.arrive $0xFFFF  }
0x9e: {  	p0 =	sne.s32 s0, $0x0;
	_ =	strace $0x90000047  }
0x9f: {  	s0 =	sadd.s32 @!p0 $0x100000, s1;
	[bflag:$0x2] =	sbarrier.arrive $0xFFFF  }
0xa0: {  	[sflag:s0] =	ssyncadd.tile.s32 @!p0 $0x1;
	_ =	shalt  }
.Lfunc_end2:
_tile_overlayer_lowered:
.L_overlay_start_2:
0xa1: {  	(tag) =	ssettag $0x2  }
0xa2: {  	s0 =	rddreg [dreg:$0x0];
	s2 =	stileid.u32  }
0xa3: {  	s1 =	rddreg [dreg:$0x1];
	p0 =	sne.s32 s2, $0x0  }
0xa4: {  	s3 =	rddreg [dreg:$0x2];
	[bflag:$0x3] =	sbarrier.arrive $0xFFFF;
	s2 =	simm.s32 @!p0 $0x1C03  }
0xa5: {  	[timem:s3], [sflag:s2] =	dma.local @!p0 [hbm:s0], s1  }
0xa6: {  	s0 =	simm.s32 @!p0 $0x3  }
0xa7: {  	_ =	swait.ge @!p0 [sflag:s0], s1  }
0xa8: {  	s1 =	ssub.s32 @!p0 $0x0, s1;
	[sflag:s0] =	ssyncset.done @!p0 $0x0  }
0xa9: {  	[sflag:s0] =	ssyncadd.s32 @!p0 s1  }
0xaa: {  	[bflag:$0x3] =	sbarrier.arrive $0xFFFF  }
0xab: {  	_ =	shalt  }

</sc_bundles>
